<compile_context>
chip_gen: v7x
topology: tpu7x:2x2x1
jax: 0.10.2.dev20260603
libtpu: 0.0.44.dev20260713+nightly
codegen_flags: <defaults>
</compile_context>

<pallas_src>
import functools

import jax
import jax.numpy as jnp
from jax import lax
from jax.experimental import pallas as pl
from jax.experimental.pallas import tpu as pltpu
from jax.experimental.pallas import tpu_sc as plsc

NUM_EMB = 1_000_000
DIM = 64
BATCH = 16384
NS, L = 16, 16
NW = NS
RANGE = 65536
POS_PAD = RANGE * NW
B_PER_W = BATCH // NW
CHUNK = 128
NCHUNK = B_PER_W // CHUNK
NIT = BATCH // L

_mesh = plsc.VectorSubcoreMesh(
    core_axis_name="c", subcore_axis_name="s", num_cores=1)


@functools.partial(
    pl.kernel,
    mesh=_mesh,
    compiler_params=pltpu.CompilerParams(needs_layout_passes=False),
    out_type=jax.ShapeDtypeStruct((POS_PAD,), jnp.int32),
    scratch_types=[
        pltpu.VMEM((BATCH,), jnp.int32),
        pltpu.VMEM((RANGE,), jnp.int32),
    ],
)
def _build_pos(nid_hbm, pos_hbm, nid_v, slab_v):
    wid = lax.axis_index("s")
    pltpu.sync_copy(nid_hbm, nid_v)
    lanes = lax.iota(jnp.int32, L)

    def emit(jvec, v, last):
        m = last & (lax.shift_right_arithmetic(v, 16) == wid)
        plsc.store_scatter(slab_v, [v & (RANGE - 1)], jvec, mask=m)

    DEPTH = 12

    def body(it, carry):
        jvec = carry[-1]
        pipe = carry[:-1]
        v_n = nid_v[pl.ds((it + DEPTH) * L, L)]
        last_n = plsc.scan_count(v_n)[1]
        emit(jvec, pipe[0], pipe[1])
        return pipe[2:] + (v_n, last_n, jvec + L)

    prime = []
    for k in range(DEPTH):
        vk = nid_v[pl.ds(k * L, L)]
        prime += [vk, plsc.scan_count(vk)[1]]
    fin = lax.fori_loop(0, NIT - DEPTH, body, (*prime, lanes), unroll=16)
    j_f = fin[-1]
    for k in range(DEPTH):
        emit(j_f + k * L, fin[2 * k], fin[2 * k + 1])
    pltpu.sync_copy(slab_v, pos_hbm.at[pl.ds(wid * RANGE, RANGE)])


@functools.partial(
    pl.kernel,
    mesh=_mesh,
    compiler_params=pltpu.CompilerParams(
        needs_layout_passes=False, use_tc_tiling_on_sc=False),
    out_type=jax.ShapeDtypeStruct((BATCH, DIM), jnp.float32),
    scratch_types=[
        pltpu.VMEM((NCHUNK, CHUNK), jnp.int32),
        pltpu.VMEM((B_PER_W,), jnp.int32),
        pltpu.VMEM((B_PER_W, DIM), jnp.float32),
        pltpu.SemaphoreType.DMA,
        pltpu.SemaphoreType.DMA,
    ],
)
def _gather_out(nid_hbm, pos_hbm, x_hbm, out_hbm, nid_v, w_v, rows_v, s1, s2):
    wid = lax.axis_index("s")
    base = wid * B_PER_W
    pltpu.sync_copy(nid_hbm.at[pl.ds(wid * NCHUNK, NCHUNK)], nid_v)
    h1 = [pltpu.async_copy(pos_hbm.at[nid_v.at[c]],
                           w_v.at[pl.ds(c * CHUNK, CHUNK)], s1)
          for c in range(NCHUNK)]
    h2 = []
    for c in range(NCHUNK):
        h1[c].wait()
        h2.append(pltpu.async_copy(
            x_hbm.at[w_v.at[pl.ds(c * CHUNK, CHUNK)]],
            rows_v.at[pl.ds(c * CHUNK, CHUNK)], s2))
    h3 = []
    for c in range(NCHUNK):
        h2[c].wait()
        h3.append(pltpu.async_copy(
            rows_v.at[pl.ds(c * CHUNK, CHUNK)],
            out_hbm.at[pl.ds(base + c * CHUNK, CHUNK)], s1))
    for h in h3:
        h.wait()


def kernel(emb, x, n_id):
    del emb
    pos = _build_pos(n_id)
    nid2 = n_id.reshape(NW * NCHUNK, CHUNK)
    return _gather_out(nid2, pos, x)

# --- scband reference (transcript-rebuilt; emitter-appended) ---
"""Pipeline reference for scband-history-24464133718375 (READ-ONLY COPY).

The authoritative reference and input builder live on the scoring server;
editing this copy changes nothing except your own understanding.
"""

import jax, jax.numpy as jnp
import numpy as np

NUM_EMBEDDINGS = 1000000
EMBEDDING_DIM = 64
BATCH = 16384


def setup_inputs(seed: int = 0) -> dict:
    key = jax.random.key(seed)
    k1, k2 = jax.random.split(key)
    x = jax.random.normal(k1, (BATCH, EMBEDDING_DIM), dtype=jnp.float32)
    n_id = jax.random.randint(k2, (BATCH,), 0, NUM_EMBEDDINGS, dtype=jnp.int32)
    # Learned/state parameter: historical embedding table, zero-initialized per reset_parameters()
    emb = jnp.zeros((NUM_EMBEDDINGS, EMBEDDING_DIM), dtype=jnp.float32)
    return {"emb": emb, "x": x, "n_id": n_id}


def reference(emb, x, n_id):
    # push(x, n_id): scatter-overwrite rows of the history table
    new_emb = emb.at[n_id].set(x)
    # pull(n_id): gather the (just-updated) rows back
    out = jnp.take(new_emb, n_id, axis=0)
    return out

if __name__ == "__main__":
    import jax
    _d = setup_inputs()
    print(jax.jit(kernel)(*tuple(_d.values())))

</pallas_src>

<mosaic_0001>
#map = affine_map<(d0, d1) -> (0)>
module attributes {stable_mosaic.version = 14 : i64} {
  func.func @_build_pos(%arg0: i32, %arg1: i32, %arg2: memref<16384xi32, #tpu.memory_space<hbm>>, %arg3: memref<1048576xi32, #tpu.memory_space<hbm>>, %arg4: memref<16384xi32, #tpu.memory_space<vmem>>, %arg5: memref<65536xi32, #tpu.memory_space<vmem>>) attributes {dimension_semantics = [#tpu.dimension_semantics<core_parallel>, #tpu.dimension_semantics<subcore_parallel>], iteration_bounds = array<i64: 1, 16>, scalar_prefetch = 0 : i64, scratch_operands = 2 : i64, tpu.core_type = #tpu.core_type<sc_vector_subcore>, window_params = [{transform_indices = #map}, {transform_indices = #map}]} {
    "tpu.region"() ({
      %run_scoped3A = tpu.sem_alloc : memref<!tpu.dma_semaphore, #tpu.memory_space<semaphore_mem>>
      tpu.enqueue_dma source(%arg2 : memref<16384xi32, #tpu.memory_space<hbm>>) target(%arg4 : memref<16384xi32, #tpu.memory_space<vmem>>) target_semaphore(%run_scoped3A : memref<!tpu.dma_semaphore, #tpu.memory_space<semaphore_mem>>)
      tpu.wait_dma2 semaphore(%run_scoped3A : memref<!tpu.dma_semaphore, #tpu.memory_space<semaphore_mem>>) src(%arg2 : memref<16384xi32, #tpu.memory_space<hbm>>) dst(%arg4 : memref<16384xi32, #tpu.memory_space<vmem>>)
      tpu.yield
    }) : () -> ()
    %iota3A = tpu.iota {dimensions = array<i32: 0>} : vector<16xi32>
    %get3A = arith.constant 0 : index
    %get3A_0 = tpu.vector_load %arg4[%get3A] {strides = array<i32>} : memref<16384xi32, #tpu.memory_space<vmem>>, vector<16xi32>,
    %broadcast_in_dim3A = arith.constant true
    %broadcast_in_dim3A_1 = vector.broadcast %broadcast_in_dim3A : i1 to vector<16xi1>
    %unique3A, %unique3A_2 = tpu.scan_count mask(%broadcast_in_dim3A_1 : vector<16xi1>) value(%get3A_0 : vector<16xi32>) : vector<16xi1>, vector<16xi32>
    %get3A_3 = arith.constant 16 : index
    %get3A_4 = tpu.vector_load %arg4[%get3A_3] {strides = array<i32>} : memref<16384xi32, #tpu.memory_space<vmem>>, vector<16xi32>,
    %broadcast_in_dim3A_5 = arith.constant true
    %broadcast_in_dim3A_6 = vector.broadcast %broadcast_in_dim3A_5 : i1 to vector<16xi1>
    %unique3A_7, %unique3A_8 = tpu.scan_count mask(%broadcast_in_dim3A_6 : vector<16xi1>) value(%get3A_4 : vector<16xi32>) : vector<16xi1>, vector<16xi32>
    %get3A_9 = arith.constant 32 : index
    %get3A_10 = tpu.vector_load %arg4[%get3A_9] {strides = array<i32>} : memref<16384xi32, #tpu.memory_space<vmem>>, vector<16xi32>,
    %broadcast_in_dim3A_11 = arith.constant true
    %broadcast_in_dim3A_12 = vector.broadcast %broadcast_in_dim3A_11 : i1 to vector<16xi1>
    %unique3A_13, %unique3A_14 = tpu.scan_count mask(%broadcast_in_dim3A_12 : vector<16xi1>) value(%get3A_10 : vector<16xi32>) : vector<16xi1>, vector<16xi32>
    %get3A_15 = arith.constant 48 : index
    %get3A_16 = tpu.vector_load %arg4[%get3A_15] {strides = array<i32>} : memref<16384xi32, #tpu.memory_space<vmem>>, vector<16xi32>,
    %broadcast_in_dim3A_17 = arith.constant true
    %broadcast_in_dim3A_18 = vector.broadcast %broadcast_in_dim3A_17 : i1 to vector<16xi1>
    %unique3A_19, %unique3A_20 = tpu.scan_count mask(%broadcast_in_dim3A_18 : vector<16xi1>) value(%get3A_16 : vector<16xi32>) : vector<16xi1>, vector<16xi32>
    %get3A_21 = arith.constant 64 : index
    %get3A_22 = tpu.vector_load %arg4[%get3A_21] {strides = array<i32>} : memref<16384xi32, #tpu.memory_space<vmem>>, vector<16xi32>,
    %broadcast_in_dim3A_23 = arith.constant true
    %broadcast_in_dim3A_24 = vector.broadcast %broadcast_in_dim3A_23 : i1 to vector<16xi1>
    %unique3A_25, %unique3A_26 = tpu.scan_count mask(%broadcast_in_dim3A_24 : vector<16xi1>) value(%get3A_22 : vector<16xi32>) : vector<16xi1>, vector<16xi32>
    %get3A_27 = arith.constant 80 : index
    %get3A_28 = tpu.vector_load %arg4[%get3A_27] {strides = array<i32>} : memref<16384xi32, #tpu.memory_space<vmem>>, vector<16xi32>,
    %broadcast_in_dim3A_29 = arith.constant true
    %broadcast_in_dim3A_30 = vector.broadcast %broadcast_in_dim3A_29 : i1 to vector<16xi1>
    %unique3A_31, %unique3A_32 = tpu.scan_count mask(%broadcast_in_dim3A_30 : vector<16xi1>) value(%get3A_28 : vector<16xi32>) : vector<16xi1>, vector<16xi32>
    %get3A_33 = arith.constant 96 : index
    %get3A_34 = tpu.vector_load %arg4[%get3A_33] {strides = array<i32>} : memref<16384xi32, #tpu.memory_space<vmem>>, vector<16xi32>,
    %broadcast_in_dim3A_35 = arith.constant true
    %broadcast_in_dim3A_36 = vector.broadcast %broadcast_in_dim3A_35 : i1 to vector<16xi1>
    %unique3A_37, %unique3A_38 = tpu.scan_count mask(%broadcast_in_dim3A_36 : vector<16xi1>) value(%get3A_34 : vector<16xi32>) : vector<16xi1>, vector<16xi32>
    %get3A_39 = arith.constant 112 : index
    %get3A_40 = tpu.vector_load %arg4[%get3A_39] {strides = array<i32>} : memref<16384xi32, #tpu.memory_space<vmem>>, vector<16xi32>,
    %broadcast_in_dim3A_41 = arith.constant true
    %broadcast_in_dim3A_42 = vector.broadcast %broadcast_in_dim3A_41 : i1 to vector<16xi1>
    %unique3A_43, %unique3A_44 = tpu.scan_count mask(%broadcast_in_dim3A_42 : vector<16xi1>) value(%get3A_40 : vector<16xi32>) : vector<16xi1>, vector<16xi32>
    %get3A_45 = arith.constant 128 : index
    %get3A_46 = tpu.vector_load %arg4[%get3A_45] {strides = array<i32>} : memref<16384xi32, #tpu.memory_space<vmem>>, vector<16xi32>,
    %broadcast_in_dim3A_47 = arith.constant true
    %broadcast_in_dim3A_48 = vector.broadcast %broadcast_in_dim3A_47 : i1 to vector<16xi1>
    %unique3A_49, %unique3A_50 = tpu.scan_count mask(%broadcast_in_dim3A_48 : vector<16xi1>) value(%get3A_46 : vector<16xi32>) : vector<16xi1>, vector<16xi32>
    %get3A_51 = arith.constant 144 : index
    %get3A_52 = tpu.vector_load %arg4[%get3A_51] {strides = array<i32>} : memref<16384xi32, #tpu.memory_space<vmem>>, vector<16xi32>,
    %broadcast_in_dim3A_53 = arith.constant true
    %broadcast_in_dim3A_54 = vector.broadcast %broadcast_in_dim3A_53 : i1 to vector<16xi1>
    %unique3A_55, %unique3A_56 = tpu.scan_count mask(%broadcast_in_dim3A_54 : vector<16xi1>) value(%get3A_52 : vector<16xi32>) : vector<16xi1>, vector<16xi32>
    %get3A_57 = arith.constant 160 : index
    %get3A_58 = tpu.vector_load %arg4[%get3A_57] {strides = array<i32>} : memref<16384xi32, #tpu.memory_space<vmem>>, vector<16xi32>,
    %broadcast_in_dim3A_59 = arith.constant true
    %broadcast_in_dim3A_60 = vector.broadcast %broadcast_in_dim3A_59 : i1 to vector<16xi1>
    %unique3A_61, %unique3A_62 = tpu.scan_count mask(%broadcast_in_dim3A_60 : vector<16xi1>) value(%get3A_58 : vector<16xi32>) : vector<16xi1>, vector<16xi32>
    %get3A_63 = arith.constant 176 : index
    %get3A_64 = tpu.vector_load %arg4[%get3A_63] {strides = array<i32>} : memref<16384xi32, #tpu.memory_space<vmem>>, vector<16xi32>,
    %broadcast_in_dim3A_65 = arith.constant true
    %broadcast_in_dim3A_66 = vector.broadcast %broadcast_in_dim3A_65 : i1 to vector<16xi1>
    %unique3A_67, %unique3A_68 = tpu.scan_count mask(%broadcast_in_dim3A_66 : vector<16xi1>) value(%get3A_64 : vector<16xi32>) : vector<16xi1>, vector<16xi32>
    %scan3A = arith.constant 0 : i32
    %scan3A_69 = arith.constant 1008 : i32
    %scan3A_70 = arith.addi %scan3A, %scan3A_69 : i32
    %scan3A_71 = arith.constant 16 : i32
    %scan3A_72:25 = scf.for %scan3A_311 = %scan3A to %scan3A_70 step %scan3A_71 iter_args(%scan3A_312 = %get3A_0, %scan3A_313 = %unique3A, %scan3A_314 = %get3A_4, %scan3A_315 = %unique3A_7, %scan3A_316 = %get3A_10, %scan3A_317 = %unique3A_13, %scan3A_318 = %get3A_16, %scan3A_319 = %unique3A_19, %scan3A_320 = %get3A_22, %scan3A_321 = %unique3A_25, %scan3A_322 = %get3A_28, %scan3A_323 = %unique3A_31, %scan3A_324 = %get3A_34, %scan3A_325 = %unique3A_37, %scan3A_326 = %get3A_40, %scan3A_327 = %unique3A_43, %scan3A_328 = %get3A_46, %scan3A_329 = %unique3A_49, %scan3A_330 = %get3A_52, %scan3A_331 = %unique3A_55, %scan3A_332 = %get3A_58, %scan3A_333 = %unique3A_61, %scan3A_334 = %get3A_64, %scan3A_335 = %unique3A_67, %scan3A_336 = %iota3A) -> (vector<16xi32>, vector<16xi1>, vector<16xi32>, vector<16xi1>, vector<16xi32>, vector<16xi1>, vector<16xi32>, vector<16xi1>, vector<16xi32>, vector<16xi1>, vector<16xi32>, vector<16xi1>, vector<16xi32>, vector<16xi1>, vector<16xi32>, vector<16xi1>, vector<16xi32>, vector<16xi1>, vector<16xi32>, vector<16xi1>, vector<16xi32>, vector<16xi1>, vector<16xi32>, vector<16xi1>, vector<16xi32>)  : i32 {
      %add3A_337 = arith.constant 12 : i32
      %add3A_338 = arith.addi %scan3A_311, %add3A_337 : i32
      %mul3A_339 = arith.constant 16 : i32
      %mul3A_340 = arith.muli %add3A_338, %mul3A_339 : i32
      %get3A_341 = arith.index_cast %mul3A_340 : i32 to index
      %get3A_342 = tpu.vector_load %arg4[%get3A_341] {strides = array<i32>} : memref<16384xi32, #tpu.memory_space<vmem>>, vector<16xi32>,
      %broadcast_in_dim3A_343 = arith.constant true
      %broadcast_in_dim3A_344 = vector.broadcast %broadcast_in_dim3A_343 : i1 to vector<16xi1>
      %unique3A_345, %unique3A_346 = tpu.scan_count mask(%broadcast_in_dim3A_344 : vector<16xi1>) value(%get3A_342 : vector<16xi32>) : vector<16xi1>, vector<16xi32>
      %shift_right_arithmetic3A_347 = arith.constant 16 : i32
      %shift_right_arithmetic3A_348 = vector.broadcast %shift_right_arithmetic3A_347 : i32 to vector<16xi32>
      %shift_right_arithmetic3A_349 = arith.shrsi %scan3A_312, %shift_right_arithmetic3A_348 : vector<16xi32>
      %eq3A_350 = vector.broadcast %arg1 : i32 to vector<16xi32>
      %eq3A_351 = arith.cmpi eq, %shift_right_arithmetic3A_349, %eq3A_350 : vector<16xi32>
      %and3A_352 = arith.andi %scan3A_313, %eq3A_351 : vector<16xi1>
      %and3A_353 = arith.constant 65535 : i32
      %and3A_354 = vector.broadcast %and3A_353 : i32 to vector<16xi32>
      %and3A_355 = arith.andi %scan3A_312, %and3A_354 : vector<16xi32>
      tpu.vector_store_idx %arg5[%and3A_355], %scan3A_336 masked %and3A_352 : memref<65536xi32, #tpu.memory_space<vmem>>[vector<16xi32>], vector<16xi32>, vector<16xi1>
      %add3A_356 = arith.constant 16 : i32
      %add3A_357 = vector.broadcast %add3A_356 : i32 to vector<16xi32>
      %add3A_358 = arith.addi %scan3A_336, %add3A_357 : vector<16xi32>
      %scan3A_359 = arith.constant 1 : i32
      %scan3A_360 = arith.addi %scan3A_311, %scan3A_359 : i32
      %add3A_361 = arith.constant 12 : i32
      %add3A_362 = arith.addi %scan3A_360, %add3A_361 : i32
      %mul3A_363 = arith.constant 16 : i32
      %mul3A_364 = arith.muli %add3A_362, %mul3A_363 : i32
      %get3A_365 = arith.index_cast %mul3A_364 : i32 to index
      %get3A_366 = tpu.vector_load %arg4[%get3A_365] {strides = array<i32>} : memref<16384xi32, #tpu.memory_space<vmem>>, vector<16xi32>,
      %broadcast_in_dim3A_367 = arith.constant true
      %broadcast_in_dim3A_368 = vector.broadcast %broadcast_in_dim3A_367 : i1 to vector<16xi1>
      %unique3A_369, %unique3A_370 = tpu.scan_count mask(%broadcast_in_dim3A_368 : vector<16xi1>) value(%get3A_366 : vector<16xi32>) : vector<16xi1>, vector<16xi32>
      %shift_right_arithmetic3A_371 = arith.constant 16 : i32
      %shift_right_arithmetic3A_372 = vector.broadcast %shift_right_arithmetic3A_371 : i32 to vector<16xi32>
      %shift_right_arithmetic3A_373 = arith.shrsi %scan3A_314, %shift_right_arithmetic3A_372 : vector<16xi32>
      %eq3A_374 = vector.broadcast %arg1 : i32 to vector<16xi32>
      %eq3A_375 = arith.cmpi eq, %shift_right_arithmetic3A_373, %eq3A_374 : vector<16xi32>
      %and3A_376 = arith.andi %scan3A_315, %eq3A_375 : vector<16xi1>
      %and3A_377 = arith.constant 65535 : i32
      %and3A_378 = vector.broadcast %and3A_377 : i32 to vector<16xi32>
      %and3A_379 = arith.andi %scan3A_314, %and3A_378 : vector<16xi32>
      tpu.vector_store_idx %arg5[%and3A_379], %add3A_358 masked %and3A_376 : memref<65536xi32, #tpu.memory_space<vmem>>[vector<16xi32>], vector<16xi32>, vector<16xi1>
      %add3A_380 = arith.constant 16 : i32
      %add3A_381 = vector.broadcast %add3A_380 : i32 to vector<16xi32>
      %add3A_382 = arith.addi %add3A_358, %add3A_381 : vector<16xi32>
      %scan3A_383 = arith.constant 2 : i32
      %scan3A_384 = arith.addi %scan3A_311, %scan3A_383 : i32
      %add3A_385 = arith.constant 12 : i32
      %add3A_386 = arith.addi %scan3A_384, %add3A_385 : i32
      %mul3A_387 = arith.constant 16 : i32
      %mul3A_388 = arith.muli %add3A_386, %mul3A_387 : i32
      %get3A_389 = arith.index_cast %mul3A_388 : i32 to index
      %get3A_390 = tpu.vector_load %arg4[%get3A_389] {strides = array<i32>} : memref<16384xi32, #tpu.memory_space<vmem>>, vector<16xi32>,
      %broadcast_in_dim3A_391 = arith.constant true
      %broadcast_in_dim3A_392 = vector.broadcast %broadcast_in_dim3A_391 : i1 to vector<16xi1>
      %unique3A_393, %unique3A_394 = tpu.scan_count mask(%broadcast_in_dim3A_392 : vector<16xi1>) value(%get3A_390 : vector<16xi32>) : vector<16xi1>, vector<16xi32>
      %shift_right_arithmetic3A_395 = arith.constant 16 : i32
      %shift_right_arithmetic3A_396 = vector.broadcast %shift_right_arithmetic3A_395 : i32 to vector<16xi32>
      %shift_right_arithmetic3A_397 = arith.shrsi %scan3A_316, %shift_right_arithmetic3A_396 : vector<16xi32>
      %eq3A_398 = vector.broadcast %arg1 : i32 to vector<16xi32>
      %eq3A_399 = arith.cmpi eq, %shift_right_arithmetic3A_397, %eq3A_398 : vector<16xi32>
      %and3A_400 = arith.andi %scan3A_317, %eq3A_399 : vector<16xi1>
      %and3A_401 = arith.constant 65535 : i32
      %and3A_402 = vector.broadcast %and3A_401 : i32 to vector<16xi32>
      %and3A_403 = arith.andi %scan3A_316, %and3A_402 : vector<16xi32>
      tpu.vector_store_idx %arg5[%and3A_403], %add3A_382 masked %and3A_400 : memref<65536xi32, #tpu.memory_space<vmem>>[vector<16xi32>], vector<16xi32>, vector<16xi1>
      %add3A_404 = arith.constant 16 : i32
      %add3A_405 = vector.broadcast %add3A_404 : i32 to vector<16xi32>
      %add3A_406 = arith.addi %add3A_382, %add3A_405 : vector<16xi32>
      %scan3A_407 = arith.constant 3 : i32
      %scan3A_408 = arith.addi %scan3A_311, %scan3A_407 : i32
      %add3A_409 = arith.constant 12 : i32
      %add3A_410 = arith.addi %scan3A_408, %add3A_409 : i32
      %mul3A_411 = arith.constant 16 : i32
      %mul3A_412 = arith.muli %add3A_410, %mul3A_411 : i32
      %get3A_413 = arith.index_cast %mul3A_412 : i32 to index
      %get3A_414 = tpu.vector_load %arg4[%get3A_413] {strides = array<i32>} : memref<16384xi32, #tpu.memory_space<vmem>>, vector<16xi32>,
      %broadcast_in_dim3A_415 = arith.constant true
      %broadcast_in_dim3A_416 = vector.broadcast %broadcast_in_dim3A_415 : i1 to vector<16xi1>
      %unique3A_417, %unique3A_418 = tpu.scan_count mask(%broadcast_in_dim3A_416 : vector<16xi1>) value(%get3A_414 : vector<16xi32>) : vector<16xi1>, vector<16xi32>
      %shift_right_arithmetic3A_419 = arith.constant 16 : i32
      %shift_right_arithmetic3A_420 = vector.broadcast %shift_right_arithmetic3A_419 : i32 to vector<16xi32>
      %shift_right_arithmetic3A_421 = arith.shrsi %scan3A_318, %shift_right_arithmetic3A_420 : vector<16xi32>
      %eq3A_422 = vector.broadcast %arg1 : i32 to vector<16xi32>
      %eq3A_423 = arith.cmpi eq, %shift_right_arithmetic3A_421, %eq3A_422 : vector<16xi32>
      %and3A_424 = arith.andi %scan3A_319, %eq3A_423 : vector<16xi1>
      %and3A_425 = arith.constant 65535 : i32
      %and3A_426 = vector.broadcast %and3A_425 : i32 to vector<16xi32>
      %and3A_427 = arith.andi %scan3A_318, %and3A_426 : vector<16xi32>
      tpu.vector_store_idx %arg5[%and3A_427], %add3A_406 masked %and3A_424 : memref<65536xi32, #tpu.memory_space<vmem>>[vector<16xi32>], vector<16xi32>, vector<16xi1>
      %add3A_428 = arith.constant 16 : i32
      %add3A_429 = vector.broadcast %add3A_428 : i32 to vector<16xi32>
      %add3A_430 = arith.addi %add3A_406, %add3A_429 : vector<16xi32>
      %scan3A_431 = arith.constant 4 : i32
      %scan3A_432 = arith.addi %scan3A_311, %scan3A_431 : i32
      %add3A_433 = arith.constant 12 : i32
      %add3A_434 = arith.addi %scan3A_432, %add3A_433 : i32
      %mul3A_435 = arith.constant 16 : i32
      %mul3A_436 = arith.muli %add3A_434, %mul3A_435 : i32
      %get3A_437 = arith.index_cast %mul3A_436 : i32 to index
      %get3A_438 = tpu.vector_load %arg4[%get3A_437] {strides = array<i32>} : memref<16384xi32, #tpu.memory_space<vmem>>, vector<16xi32>,
      %broadcast_in_dim3A_439 = arith.constant true
      %broadcast_in_dim3A_440 = vector.broadcast %broadcast_in_dim3A_439 : i1 to vector<16xi1>
      %unique3A_441, %unique3A_442 = tpu.scan_count mask(%broadcast_in_dim3A_440 : vector<16xi1>) value(%get3A_438 : vector<16xi32>) : vector<16xi1>, vector<16xi32>
      %shift_right_arithmetic3A_443 = arith.constant 16 : i32
      %shift_right_arithmetic3A_444 = vector.broadcast %shift_right_arithmetic3A_443 : i32 to vector<16xi32>
      %shift_right_arithmetic3A_445 = arith.shrsi %scan3A_320, %shift_right_arithmetic3A_444 : vector<16xi32>
      %eq3A_446 = vector.broadcast %arg1 : i32 to vector<16xi32>
      %eq3A_447 = arith.cmpi eq, %shift_right_arithmetic3A_445, %eq3A_446 : vector<16xi32>
      %and3A_448 = arith.andi %scan3A_321, %eq3A_447 : vector<16xi1>
      %and3A_449 = arith.constant 65535 : i32
      %and3A_450 = vector.broadcast %and3A_449 : i32 to vector<16xi32>
      %and3A_451 = arith.andi %scan3A_320, %and3A_450 : vector<16xi32>
      tpu.vector_store_idx %arg5[%and3A_451], %add3A_430 masked %and3A_448 : memref<65536xi32, #tpu.memory_space<vmem>>[vector<16xi32>], vector<16xi32>, vector<16xi1>
      %add3A_452 = arith.constant 16 : i32
      %add3A_453 = vector.broadcast %add3A_452 : i32 to vector<16xi32>
      %add3A_454 = arith.addi %add3A_430, %add3A_453 : vector<16xi32>
      %scan3A_455 = arith.constant 5 : i32
      %scan3A_456 = arith.addi %scan3A_311, %scan3A_455 : i32
      %add3A_457 = arith.constant 12 : i32
      %add3A_458 = arith.addi %scan3A_456, %add3A_457 : i32
      %mul3A_459 = arith.constant 16 : i32
      %mul3A_460 = arith.muli %add3A_458, %mul3A_459 : i32
      %get3A_461 = arith.index_cast %mul3A_460 : i32 to index
      %get3A_462 = tpu.vector_load %arg4[%get3A_461] {strides = array<i32>} : memref<16384xi32, #tpu.memory_space<vmem>>, vector<16xi32>,
      %broadcast_in_dim3A_463 = arith.constant true
      %broadcast_in_dim3A_464 = vector.broadcast %broadcast_in_dim3A_463 : i1 to vector<16xi1>
      %unique3A_465, %unique3A_466 = tpu.scan_count mask(%broadcast_in_dim3A_464 : vector<16xi1>) value(%get3A_462 : vector<16xi32>) : vector<16xi1>, vector<16xi32>
      %shift_right_arithmetic3A_467 = arith.constant 16 : i32
      %shift_right_arithmetic3A_468 = vector.broadcast %shift_right_arithmetic3A_467 : i32 to vector<16xi32>
      %shift_right_arithmetic3A_469 = arith.shrsi %scan3A_322, %shift_right_arithmetic3A_468 : vector<16xi32>
      %eq3A_470 = vector.broadcast %arg1 : i32 to vector<16xi32>
      %eq3A_471 = arith.cmpi eq, %shift_right_arithmetic3A_469, %eq3A_470 : vector<16xi32>
      %and3A_472 = arith.andi %scan3A_323, %eq3A_471 : vector<16xi1>
      %and3A_473 = arith.constant 65535 : i32
      %and3A_474 = vector.broadcast %and3A_473 : i32 to vector<16xi32>
      %and3A_475 = arith.andi %scan3A_322, %and3A_474 : vector<16xi32>
      tpu.vector_store_idx %arg5[%and3A_475], %add3A_454 masked %and3A_472 : memref<65536xi32, #tpu.memory_space<vmem>>[vector<16xi32>], vector<16xi32>, vector<16xi1>
      %add3A_476 = arith.constant 16 : i32
      %add3A_477 = vector.broadcast %add3A_476 : i32 to vector<16xi32>
      %add3A_478 = arith.addi %add3A_454, %add3A_477 : vector<16xi32>
      %scan3A_479 = arith.constant 6 : i32
      %scan3A_480 = arith.addi %scan3A_311, %scan3A_479 : i32
      %add3A_481 = arith.constant 12 : i32
      %add3A_482 = arith.addi %scan3A_480, %add3A_481 : i32
      %mul3A_483 = arith.constant 16 : i32
      %mul3A_484 = arith.muli %add3A_482, %mul3A_483 : i32
      %get3A_485 = arith.index_cast %mul3A_484 : i32 to index
      %get3A_486 = tpu.vector_load %arg4[%get3A_485] {strides = array<i32>} : memref<16384xi32, #tpu.memory_space<vmem>>, vector<16xi32>,
      %broadcast_in_dim3A_487 = arith.constant true
      %broadcast_in_dim3A_488 = vector.broadcast %broadcast_in_dim3A_487 : i1 to vector<16xi1>
      %unique3A_489, %unique3A_490 = tpu.scan_count mask(%broadcast_in_dim3A_488 : vector<16xi1>) value(%get3A_486 : vector<16xi32>) : vector<16xi1>, vector<16xi32>
      %shift_right_arithmetic3A_491 = arith.constant 16 : i32
      %shift_right_arithmetic3A_492 = vector.broadcast %shift_right_arithmetic3A_491 : i32 to vector<16xi32>
      %shift_right_arithmetic3A_493 = arith.shrsi %scan3A_324, %shift_right_arithmetic3A_492 : vector<16xi32>
      %eq3A_494 = vector.broadcast %arg1 : i32 to vector<16xi32>
      %eq3A_495 = arith.cmpi eq, %shift_right_arithmetic3A_493, %eq3A_494 : vector<16xi32>
      %and3A_496 = arith.andi %scan3A_325, %eq3A_495 : vector<16xi1>
      %and3A_497 = arith.constant 65535 : i32
      %and3A_498 = vector.broadcast %and3A_497 : i32 to vector<16xi32>
      %and3A_499 = arith.andi %scan3A_324, %and3A_498 : vector<16xi32>
      tpu.vector_store_idx %arg5[%and3A_499], %add3A_478 masked %and3A_496 : memref<65536xi32, #tpu.memory_space<vmem>>[vector<16xi32>], vector<16xi32>, vector<16xi1>
      %add3A_500 = arith.constant 16 : i32
      %add3A_501 = vector.broadcast %add3A_500 : i32 to vector<16xi32>
      %add3A_502 = arith.addi %add3A_478, %add3A_501 : vector<16xi32>
      %scan3A_503 = arith.constant 7 : i32
      %scan3A_504 = arith.addi %scan3A_311, %scan3A_503 : i32
      %add3A_505 = arith.constant 12 : i32
      %add3A_506 = arith.addi %scan3A_504, %add3A_505 : i32
      %mul3A_507 = arith.constant 16 : i32
      %mul3A_508 = arith.muli %add3A_506, %mul3A_507 : i32
      %get3A_509 = arith.index_cast %mul3A_508 : i32 to index
      %get3A_510 = tpu.vector_load %arg4[%get3A_509] {strides = array<i32>} : memref<16384xi32, #tpu.memory_space<vmem>>, vector<16xi32>,
      %broadcast_in_dim3A_511 = arith.constant true
      %broadcast_in_dim3A_512 = vector.broadcast %broadcast_in_dim3A_511 : i1 to vector<16xi1>
      %unique3A_513, %unique3A_514 = tpu.scan_count mask(%broadcast_in_dim3A_512 : vector<16xi1>) value(%get3A_510 : vector<16xi32>) : vector<16xi1>, vector<16xi32>
      %shift_right_arithmetic3A_515 = arith.constant 16 : i32
      %shift_right_arithmetic3A_516 = vector.broadcast %shift_right_arithmetic3A_515 : i32 to vector<16xi32>
      %shift_right_arithmetic3A_517 = arith.shrsi %scan3A_326, %shift_right_arithmetic3A_516 : vector<16xi32>
      %eq3A_518 = vector.broadcast %arg1 : i32 to vector<16xi32>
      %eq3A_519 = arith.cmpi eq, %shift_right_arithmetic3A_517, %eq3A_518 : vector<16xi32>
      %and3A_520 = arith.andi %scan3A_327, %eq3A_519 : vector<16xi1>
      %and3A_521 = arith.constant 65535 : i32
      %and3A_522 = vector.broadcast %and3A_521 : i32 to vector<16xi32>
      %and3A_523 = arith.andi %scan3A_326, %and3A_522 : vector<16xi32>
      tpu.vector_store_idx %arg5[%and3A_523], %add3A_502 masked %and3A_520 : memref<65536xi32, #tpu.memory_space<vmem>>[vector<16xi32>], vector<16xi32>, vector<16xi1>
      %add3A_524 = arith.constant 16 : i32
      %add3A_525 = vector.broadcast %add3A_524 : i32 to vector<16xi32>
      %add3A_526 = arith.addi %add3A_502, %add3A_525 : vector<16xi32>
      %scan3A_527 = arith.constant 8 : i32
      %scan3A_528 = arith.addi %scan3A_311, %scan3A_527 : i32
      %add3A_529 = arith.constant 12 : i32
      %add3A_530 = arith.addi %scan3A_528, %add3A_529 : i32
      %mul3A_531 = arith.constant 16 : i32
      %mul3A_532 = arith.muli %add3A_530, %mul3A_531 : i32
      %get3A_533 = arith.index_cast %mul3A_532 : i32 to index
      %get3A_534 = tpu.vector_load %arg4[%get3A_533] {strides = array<i32>} : memref<16384xi32, #tpu.memory_space<vmem>>, vector<16xi32>,
      %broadcast_in_dim3A_535 = arith.constant true
      %broadcast_in_dim3A_536 = vector.broadcast %broadcast_in_dim3A_535 : i1 to vector<16xi1>
      %unique3A_537, %unique3A_538 = tpu.scan_count mask(%broadcast_in_dim3A_536 : vector<16xi1>) value(%get3A_534 : vector<16xi32>) : vector<16xi1>, vector<16xi32>
      %shift_right_arithmetic3A_539 = arith.constant 16 : i32
      %shift_right_arithmetic3A_540 = vector.broadcast %shift_right_arithmetic3A_539 : i32 to vector<16xi32>
      %shift_right_arithmetic3A_541 = arith.shrsi %scan3A_328, %shift_right_arithmetic3A_540 : vector<16xi32>
      %eq3A_542 = vector.broadcast %arg1 : i32 to vector<16xi32>
      %eq3A_543 = arith.cmpi eq, %shift_right_arithmetic3A_541, %eq3A_542 : vector<16xi32>
      %and3A_544 = arith.andi %scan3A_329, %eq3A_543 : vector<16xi1>
      %and3A_545 = arith.constant 65535 : i32
      %and3A_546 = vector.broadcast %and3A_545 : i32 to vector<16xi32>
      %and3A_547 = arith.andi %scan3A_328, %and3A_546 : vector<16xi32>
      tpu.vector_store_idx %arg5[%and3A_547], %add3A_526 masked %and3A_544 : memref<65536xi32, #tpu.memory_space<vmem>>[vector<16xi32>], vector<16xi32>, vector<16xi1>
      %add3A_548 = arith.constant 16 : i32
      %add3A_549 = vector.broadcast %add3A_548 : i32 to vector<16xi32>
      %add3A_550 = arith.addi %add3A_526, %add3A_549 : vector<16xi32>
      %scan3A_551 = arith.constant 9 : i32
      %scan3A_552 = arith.addi %scan3A_311, %scan3A_551 : i32
      %add3A_553 = arith.constant 12 : i32
      %add3A_554 = arith.addi %scan3A_552, %add3A_553 : i32
      %mul3A_555 = arith.constant 16 : i32
      %mul3A_556 = arith.muli %add3A_554, %mul3A_555 : i32
      %get3A_557 = arith.index_cast %mul3A_556 : i32 to index
      %get3A_558 = tpu.vector_load %arg4[%get3A_557] {strides = array<i32>} : memref<16384xi32, #tpu.memory_space<vmem>>, vector<16xi32>,
      %broadcast_in_dim3A_559 = arith.constant true
      %broadcast_in_dim3A_560 = vector.broadcast %broadcast_in_dim3A_559 : i1 to vector<16xi1>
      %unique3A_561, %unique3A_562 = tpu.scan_count mask(%broadcast_in_dim3A_560 : vector<16xi1>) value(%get3A_558 : vector<16xi32>) : vector<16xi1>, vector<16xi32>
      %shift_right_arithmetic3A_563 = arith.constant 16 : i32
      %shift_right_arithmetic3A_564 = vector.broadcast %shift_right_arithmetic3A_563 : i32 to vector<16xi32>
      %shift_right_arithmetic3A_565 = arith.shrsi %scan3A_330, %shift_right_arithmetic3A_564 : vector<16xi32>
      %eq3A_566 = vector.broadcast %arg1 : i32 to vector<16xi32>
      %eq3A_567 = arith.cmpi eq, %shift_right_arithmetic3A_565, %eq3A_566 : vector<16xi32>
      %and3A_568 = arith.andi %scan3A_331, %eq3A_567 : vector<16xi1>
      %and3A_569 = arith.constant 65535 : i32
      %and3A_570 = vector.broadcast %and3A_569 : i32 to vector<16xi32>
      %and3A_571 = arith.andi %scan3A_330, %and3A_570 : vector<16xi32>
      tpu.vector_store_idx %arg5[%and3A_571], %add3A_550 masked %and3A_568 : memref<65536xi32, #tpu.memory_space<vmem>>[vector<16xi32>], vector<16xi32>, vector<16xi1>
      %add3A_572 = arith.constant 16 : i32
      %add3A_573 = vector.broadcast %add3A_572 : i32 to vector<16xi32>
      %add3A_574 = arith.addi %add3A_550, %add3A_573 : vector<16xi32>
      %scan3A_575 = arith.constant 10 : i32
      %scan3A_576 = arith.addi %scan3A_311, %scan3A_575 : i32
      %add3A_577 = arith.constant 12 : i32
      %add3A_578 = arith.addi %scan3A_576, %add3A_577 : i32
      %mul3A_579 = arith.constant 16 : i32
      %mul3A_580 = arith.muli %add3A_578, %mul3A_579 : i32
      %get3A_581 = arith.index_cast %mul3A_580 : i32 to index
      %get3A_582 = tpu.vector_load %arg4[%get3A_581] {strides = array<i32>} : memref<16384xi32, #tpu.memory_space<vmem>>, vector<16xi32>,
      %broadcast_in_dim3A_583 = arith.constant true
      %broadcast_in_dim3A_584 = vector.broadcast %broadcast_in_dim3A_583 : i1 to vector<16xi1>
      %unique3A_585, %unique3A_586 = tpu.scan_count mask(%broadcast_in_dim3A_584 : vector<16xi1>) value(%get3A_582 : vector<16xi32>) : vector<16xi1>, vector<16xi32>
      %shift_right_arithmetic3A_587 = arith.constant 16 : i32
      %shift_right_arithmetic3A_588 = vector.broadcast %shift_right_arithmetic3A_587 : i32 to vector<16xi32>
      %shift_right_arithmetic3A_589 = arith.shrsi %scan3A_332, %shift_right_arithmetic3A_588 : vector<16xi32>
      %eq3A_590 = vector.broadcast %arg1 : i32 to vector<16xi32>
      %eq3A_591 = arith.cmpi eq, %shift_right_arithmetic3A_589, %eq3A_590 : vector<16xi32>
      %and3A_592 = arith.andi %scan3A_333, %eq3A_591 : vector<16xi1>
      %and3A_593 = arith.constant 65535 : i32
      %and3A_594 = vector.broadcast %and3A_593 : i32 to vector<16xi32>
      %and3A_595 = arith.andi %scan3A_332, %and3A_594 : vector<16xi32>
      tpu.vector_store_idx %arg5[%and3A_595], %add3A_574 masked %and3A_592 : memref<65536xi32, #tpu.memory_space<vmem>>[vector<16xi32>], vector<16xi32>, vector<16xi1>
      %add3A_596 = arith.constant 16 : i32
      %add3A_597 = vector.broadcast %add3A_596 : i32 to vector<16xi32>
      %add3A_598 = arith.addi %add3A_574, %add3A_597 : vector<16xi32>
      %scan3A_599 = arith.constant 11 : i32
      %scan3A_600 = arith.addi %scan3A_311, %scan3A_599 : i32
      %add3A_601 = arith.constant 12 : i32
      %add3A_602 = arith.addi %scan3A_600, %add3A_601 : i32
      %mul3A_603 = arith.constant 16 : i32
      %mul3A_604 = arith.muli %add3A_602, %mul3A_603 : i32
      %get3A_605 = arith.index_cast %mul3A_604 : i32 to index
      %get3A_606 = tpu.vector_load %arg4[%get3A_605] {strides = array<i32>} : memref<16384xi32, #tpu.memory_space<vmem>>, vector<16xi32>,
      %broadcast_in_dim3A_607 = arith.constant true
      %broadcast_in_dim3A_608 = vector.broadcast %broadcast_in_dim3A_607 : i1 to vector<16xi1>
      %unique3A_609, %unique3A_610 = tpu.scan_count mask(%broadcast_in_dim3A_608 : vector<16xi1>) value(%get3A_606 : vector<16xi32>) : vector<16xi1>, vector<16xi32>
      %shift_right_arithmetic3A_611 = arith.constant 16 : i32
      %shift_right_arithmetic3A_612 = vector.broadcast %shift_right_arithmetic3A_611 : i32 to vector<16xi32>
      %shift_right_arithmetic3A_613 = arith.shrsi %scan3A_334, %shift_right_arithmetic3A_612 : vector<16xi32>
      %eq3A_614 = vector.broadcast %arg1 : i32 to vector<16xi32>
      %eq3A_615 = arith.cmpi eq, %shift_right_arithmetic3A_613, %eq3A_614 : vector<16xi32>
      %and3A_616 = arith.andi %scan3A_335, %eq3A_615 : vector<16xi1>
      %and3A_617 = arith.constant 65535 : i32
      %and3A_618 = vector.broadcast %and3A_617 : i32 to vector<16xi32>
      %and3A_619 = arith.andi %scan3A_334, %and3A_618 : vector<16xi32>
      tpu.vector_store_idx %arg5[%and3A_619], %add3A_598 masked %and3A_616 : memref<65536xi32, #tpu.memory_space<vmem>>[vector<16xi32>], vector<16xi32>, vector<16xi1>
      %add3A_620 = arith.constant 16 : i32
      %add3A_621 = vector.broadcast %add3A_620 : i32 to vector<16xi32>
      %add3A_622 = arith.addi %add3A_598, %add3A_621 : vector<16xi32>
      %scan3A_623 = arith.constant 12 : i32
      %scan3A_624 = arith.addi %scan3A_311, %scan3A_623 : i32
      %add3A_625 = arith.constant 12 : i32
      %add3A_626 = arith.addi %scan3A_624, %add3A_625 : i32
      %mul3A_627 = arith.constant 16 : i32
      %mul3A_628 = arith.muli %add3A_626, %mul3A_627 : i32
      %get3A_629 = arith.index_cast %mul3A_628 : i32 to index
      %get3A_630 = tpu.vector_load %arg4[%get3A_629] {strides = array<i32>} : memref<16384xi32, #tpu.memory_space<vmem>>, vector<16xi32>,
      %broadcast_in_dim3A_631 = arith.constant true
      %broadcast_in_dim3A_632 = vector.broadcast %broadcast_in_dim3A_631 : i1 to vector<16xi1>
      %unique3A_633, %unique3A_634 = tpu.scan_count mask(%broadcast_in_dim3A_632 : vector<16xi1>) value(%get3A_630 : vector<16xi32>) : vector<16xi1>, vector<16xi32>
      %shift_right_arithmetic3A_635 = arith.constant 16 : i32
      %shift_right_arithmetic3A_636 = vector.broadcast %shift_right_arithmetic3A_635 : i32 to vector<16xi32>
      %shift_right_arithmetic3A_637 = arith.shrsi %get3A_342, %shift_right_arithmetic3A_636 : vector<16xi32>
      %eq3A_638 = vector.broadcast %arg1 : i32 to vector<16xi32>
      %eq3A_639 = arith.cmpi eq, %shift_right_arithmetic3A_637, %eq3A_638 : vector<16xi32>
      %and3A_640 = arith.andi %unique3A_345, %eq3A_639 : vector<16xi1>
      %and3A_641 = arith.constant 65535 : i32
      %and3A_642 = vector.broadcast %and3A_641 : i32 to vector<16xi32>
      %and3A_643 = arith.andi %get3A_342, %and3A_642 : vector<16xi32>
      tpu.vector_store_idx %arg5[%and3A_643], %add3A_622 masked %and3A_640 : memref<65536xi32, #tpu.memory_space<vmem>>[vector<16xi32>], vector<16xi32>, vector<16xi1>
      %add3A_644 = arith.constant 16 : i32
      %add3A_645 = vector.broadcast %add3A_644 : i32 to vector<16xi32>
      %add3A_646 = arith.addi %add3A_622, %add3A_645 : vector<16xi32>
      %scan3A_647 = arith.constant 13 : i32
      %scan3A_648 = arith.addi %scan3A_311, %scan3A_647 : i32
      %add3A_649 = arith.constant 12 : i32
      %add3A_650 = arith.addi %scan3A_648, %add3A_649 : i32
      %mul3A_651 = arith.constant 16 : i32
      %mul3A_652 = arith.muli %add3A_650, %mul3A_651 : i32
      %get3A_653 = arith.index_cast %mul3A_652 : i32 to index
      %get3A_654 = tpu.vector_load %arg4[%get3A_653] {strides = array<i32>} : memref<16384xi32, #tpu.memory_space<vmem>>, vector<16xi32>,
      %broadcast_in_dim3A_655 = arith.constant true
      %broadcast_in_dim3A_656 = vector.broadcast %broadcast_in_dim3A_655 : i1 to vector<16xi1>
      %unique3A_657, %unique3A_658 = tpu.scan_count mask(%broadcast_in_dim3A_656 : vector<16xi1>) value(%get3A_654 : vector<16xi32>) : vector<16xi1>, vector<16xi32>
      %shift_right_arithmetic3A_659 = arith.constant 16 : i32
      %shift_right_arithmetic3A_660 = vector.broadcast %shift_right_arithmetic3A_659 : i32 to vector<16xi32>
      %shift_right_arithmetic3A_661 = arith.shrsi %get3A_366, %shift_right_arithmetic3A_660 : vector<16xi32>
      %eq3A_662 = vector.broadcast %arg1 : i32 to vector<16xi32>
      %eq3A_663 = arith.cmpi eq, %shift_right_arithmetic3A_661, %eq3A_662 : vector<16xi32>
      %and3A_664 = arith.andi %unique3A_369, %eq3A_663 : vector<16xi1>
      %and3A_665 = arith.constant 65535 : i32
      %and3A_666 = vector.broadcast %and3A_665 : i32 to vector<16xi32>
      %and3A_667 = arith.andi %get3A_366, %and3A_666 : vector<16xi32>
      tpu.vector_store_idx %arg5[%and3A_667], %add3A_646 masked %and3A_664 : memref<65536xi32, #tpu.memory_space<vmem>>[vector<16xi32>], vector<16xi32>, vector<16xi1>
      %add3A_668 = arith.constant 16 : i32
      %add3A_669 = vector.broadcast %add3A_668 : i32 to vector<16xi32>
      %add3A_670 = arith.addi %add3A_646, %add3A_669 : vector<16xi32>
      %scan3A_671 = arith.constant 14 : i32
      %scan3A_672 = arith.addi %scan3A_311, %scan3A_671 : i32
      %add3A_673 = arith.constant 12 : i32
      %add3A_674 = arith.addi %scan3A_672, %add3A_673 : i32
      %mul3A_675 = arith.constant 16 : i32
      %mul3A_676 = arith.muli %add3A_674, %mul3A_675 : i32
      %get3A_677 = arith.index_cast %mul3A_676 : i32 to index
      %get3A_678 = tpu.vector_load %arg4[%get3A_677] {strides = array<i32>} : memref<16384xi32, #tpu.memory_space<vmem>>, vector<16xi32>,
      %broadcast_in_dim3A_679 = arith.constant true
      %broadcast_in_dim3A_680 = vector.broadcast %broadcast_in_dim3A_679 : i1 to vector<16xi1>
      %unique3A_681, %unique3A_682 = tpu.scan_count mask(%broadcast_in_dim3A_680 : vector<16xi1>) value(%get3A_678 : vector<16xi32>) : vector<16xi1>, vector<16xi32>
      %shift_right_arithmetic3A_683 = arith.constant 16 : i32
      %shift_right_arithmetic3A_684 = vector.broadcast %shift_right_arithmetic3A_683 : i32 to vector<16xi32>
      %shift_right_arithmetic3A_685 = arith.shrsi %get3A_390, %shift_right_arithmetic3A_684 : vector<16xi32>
      %eq3A_686 = vector.broadcast %arg1 : i32 to vector<16xi32>
      %eq3A_687 = arith.cmpi eq, %shift_right_arithmetic3A_685, %eq3A_686 : vector<16xi32>
      %and3A_688 = arith.andi %unique3A_393, %eq3A_687 : vector<16xi1>
      %and3A_689 = arith.constant 65535 : i32
      %and3A_690 = vector.broadcast %and3A_689 : i32 to vector<16xi32>
      %and3A_691 = arith.andi %get3A_390, %and3A_690 : vector<16xi32>
      tpu.vector_store_idx %arg5[%and3A_691], %add3A_670 masked %and3A_688 : memref<65536xi32, #tpu.memory_space<vmem>>[vector<16xi32>], vector<16xi32>, vector<16xi1>
      %add3A_692 = arith.constant 16 : i32
      %add3A_693 = vector.broadcast %add3A_692 : i32 to vector<16xi32>
      %add3A_694 = arith.addi %add3A_670, %add3A_693 : vector<16xi32>
      %scan3A_695 = arith.constant 15 : i32
      %scan3A_696 = arith.addi %scan3A_311, %scan3A_695 : i32
      %add3A_697 = arith.constant 12 : i32
      %add3A_698 = arith.addi %scan3A_696, %add3A_697 : i32
      %mul3A_699 = arith.constant 16 : i32
      %mul3A_700 = arith.muli %add3A_698, %mul3A_699 : i32
      %get3A_701 = arith.index_cast %mul3A_700 : i32 to index
      %get3A_702 = tpu.vector_load %arg4[%get3A_701] {strides = array<i32>} : memref<16384xi32, #tpu.memory_space<vmem>>, vector<16xi32>,
      %broadcast_in_dim3A_703 = arith.constant true
      %broadcast_in_dim3A_704 = vector.broadcast %broadcast_in_dim3A_703 : i1 to vector<16xi1>
      %unique3A_705, %unique3A_706 = tpu.scan_count mask(%broadcast_in_dim3A_704 : vector<16xi1>) value(%get3A_702 : vector<16xi32>) : vector<16xi1>, vector<16xi32>
      %shift_right_arithmetic3A_707 = arith.constant 16 : i32
      %shift_right_arithmetic3A_708 = vector.broadcast %shift_right_arithmetic3A_707 : i32 to vector<16xi32>
      %shift_right_arithmetic3A_709 = arith.shrsi %get3A_414, %shift_right_arithmetic3A_708 : vector<16xi32>
      %eq3A_710 = vector.broadcast %arg1 : i32 to vector<16xi32>
      %eq3A_711 = arith.cmpi eq, %shift_right_arithmetic3A_709, %eq3A_710 : vector<16xi32>
      %and3A_712 = arith.andi %unique3A_417, %eq3A_711 : vector<16xi1>
      %and3A_713 = arith.constant 65535 : i32
      %and3A_714 = vector.broadcast %and3A_713 : i32 to vector<16xi32>
      %and3A_715 = arith.andi %get3A_414, %and3A_714 : vector<16xi32>
      tpu.vector_store_idx %arg5[%and3A_715], %add3A_694 masked %and3A_712 : memref<65536xi32, #tpu.memory_space<vmem>>[vector<16xi32>], vector<16xi32>, vector<16xi1>
      %add3A_716 = arith.constant 16 : i32
      %add3A_717 = vector.broadcast %add3A_716 : i32 to vector<16xi32>
      %add3A_718 = arith.addi %add3A_694, %add3A_717 : vector<16xi32>
      scf.yield %get3A_438, %unique3A_441, %get3A_462, %unique3A_465, %get3A_486, %unique3A_489, %get3A_510, %unique3A_513, %get3A_534, %unique3A_537, %get3A_558, %unique3A_561, %get3A_582, %unique3A_585, %get3A_606, %unique3A_609, %get3A_630, %unique3A_633, %get3A_654, %unique3A_657, %get3A_678, %unique3A_681, %get3A_702, %unique3A_705, %add3A_718 : vector<16xi32>, vector<16xi1>, vector<16xi32>, vector<16xi1>, vector<16xi32>, vector<16xi1>, vector<16xi32>, vector<16xi1>, vector<16xi32>, vector<16xi1>, vector<16xi32>, vector<16xi1>, vector<16xi32>, vector<16xi1>, vector<16xi32>, vector<16xi1>, vector<16xi32>, vector<16xi1>, vector<16xi32>, vector<16xi1>, vector<16xi32>, vector<16xi1>, vector<16xi32>, vector<16xi1>, vector<16xi32>
    }
    %scan3A_73 = arith.constant 1008 : i32
    %scan3A_74 = arith.addi %scan3A, %scan3A_73 : i32
    %add3A = arith.constant 12 : i32
    %add3A_75 = arith.addi %scan3A_74, %add3A : i32
    %mul3A = arith.constant 16 : i32
    %mul3A_76 = arith.muli %add3A_75, %mul3A : i32
    %get3A_77 = arith.index_cast %mul3A_76 : i32 to index
    %get3A_78 = tpu.vector_load %arg4[%get3A_77] {strides = array<i32>} : memref<16384xi32, #tpu.memory_space<vmem>>, vector<16xi32>,
    %broadcast_in_dim3A_79 = arith.constant true
    %broadcast_in_dim3A_80 = vector.broadcast %broadcast_in_dim3A_79 : i1 to vector<16xi1>
    %unique3A_81, %unique3A_82 = tpu.scan_count mask(%broadcast_in_dim3A_80 : vector<16xi1>) value(%get3A_78 : vector<16xi32>) : vector<16xi1>, vector<16xi32>
    %shift_right_arithmetic3A = arith.constant 16 : i32
    %shift_right_arithmetic3A_83 = vector.broadcast %shift_right_arithmetic3A : i32 to vector<16xi32>
    %shift_right_arithmetic3A_84 = arith.shrsi %scan3A_72#0, %shift_right_arithmetic3A_83 : vector<16xi32>
    %eq3A = vector.broadcast %arg1 : i32 to vector<16xi32>
    %eq3A_85 = arith.cmpi eq, %shift_right_arithmetic3A_84, %eq3A : vector<16xi32>
    %and3A = arith.andi %scan3A_72#1, %eq3A_85 : vector<16xi1>
    %and3A_86 = arith.constant 65535 : i32
    %and3A_87 = vector.broadcast %and3A_86 : i32 to vector<16xi32>
    %and3A_88 = arith.andi %scan3A_72#0, %and3A_87 : vector<16xi32>
    tpu.vector_store_idx %arg5[%and3A_88], %scan3A_72#24 masked %and3A : memref<65536xi32, #tpu.memory_space<vmem>>[vector<16xi32>], vector<16xi32>, vector<16xi1>
    %add3A_89 = arith.constant 16 : i32
    %add3A_90 = vector.broadcast %add3A_89 : i32 to vector<16xi32>
    %add3A_91 = arith.addi %scan3A_72#24, %add3A_90 : vector<16xi32>
    %scan3A_92 = arith.constant 1009 : i32
    %scan3A_93 = arith.addi %scan3A, %scan3A_92 : i32
    %add3A_94 = arith.constant 12 : i32
    %add3A_95 = arith.addi %scan3A_93, %add3A_94 : i32
    %mul3A_96 = arith.constant 16 : i32
    %mul3A_97 = arith.muli %add3A_95, %mul3A_96 : i32
    %get3A_98 = arith.index_cast %mul3A_97 : i32 to index
    %get3A_99 = tpu.vector_load %arg4[%get3A_98] {strides = array<i32>} : memref<16384xi32, #tpu.memory_space<vmem>>, vector<16xi32>,
    %broadcast_in_dim3A_100 = arith.constant true
    %broadcast_in_dim3A_101 = vector.broadcast %broadcast_in_dim3A_100 : i1 to vector<16xi1>
    %unique3A_102, %unique3A_103 = tpu.scan_count mask(%broadcast_in_dim3A_101 : vector<16xi1>) value(%get3A_99 : vector<16xi32>) : vector<16xi1>, vector<16xi32>
    %shift_right_arithmetic3A_104 = arith.constant 16 : i32
    %shift_right_arithmetic3A_105 = vector.broadcast %shift_right_arithmetic3A_104 : i32 to vector<16xi32>
    %shift_right_arithmetic3A_106 = arith.shrsi %scan3A_72#2, %shift_right_arithmetic3A_105 : vector<16xi32>
    %eq3A_107 = vector.broadcast %arg1 : i32 to vector<16xi32>
    %eq3A_108 = arith.cmpi eq, %shift_right_arithmetic3A_106, %eq3A_107 : vector<16xi32>
    %and3A_109 = arith.andi %scan3A_72#3, %eq3A_108 : vector<16xi1>
    %and3A_110 = arith.constant 65535 : i32
    %and3A_111 = vector.broadcast %and3A_110 : i32 to vector<16xi32>
    %and3A_112 = arith.andi %scan3A_72#2, %and3A_111 : vector<16xi32>
    tpu.vector_store_idx %arg5[%and3A_112], %add3A_91 masked %and3A_109 : memref<65536xi32, #tpu.memory_space<vmem>>[vector<16xi32>], vector<16xi32>, vector<16xi1>
    %add3A_113 = arith.constant 16 : i32
    %add3A_114 = vector.broadcast %add3A_113 : i32 to vector<16xi32>
    %add3A_115 = arith.addi %add3A_91, %add3A_114 : vector<16xi32>
    %scan3A_116 = arith.constant 1010 : i32
    %scan3A_117 = arith.addi %scan3A, %scan3A_116 : i32
    %add3A_118 = arith.constant 12 : i32
    %add3A_119 = arith.addi %scan3A_117, %add3A_118 : i32
    %mul3A_120 = arith.constant 16 : i32
    %mul3A_121 = arith.muli %add3A_119, %mul3A_120 : i32
    %get3A_122 = arith.index_cast %mul3A_121 : i32 to index
    %get3A_123 = tpu.vector_load %arg4[%get3A_122] {strides = array<i32>} : memref<16384xi32, #tpu.memory_space<vmem>>, vector<16xi32>,
    %broadcast_in_dim3A_124 = arith.constant true
    %broadcast_in_dim3A_125 = vector.broadcast %broadcast_in_dim3A_124 : i1 to vector<16xi1>
    %unique3A_126, %unique3A_127 = tpu.scan_count mask(%broadcast_in_dim3A_125 : vector<16xi1>) value(%get3A_123 : vector<16xi32>) : vector<16xi1>, vector<16xi32>
    %shift_right_arithmetic3A_128 = arith.constant 16 : i32
    %shift_right_arithmetic3A_129 = vector.broadcast %shift_right_arithmetic3A_128 : i32 to vector<16xi32>
    %shift_right_arithmetic3A_130 = arith.shrsi %scan3A_72#4, %shift_right_arithmetic3A_129 : vector<16xi32>
    %eq3A_131 = vector.broadcast %arg1 : i32 to vector<16xi32>
    %eq3A_132 = arith.cmpi eq, %shift_right_arithmetic3A_130, %eq3A_131 : vector<16xi32>
    %and3A_133 = arith.andi %scan3A_72#5, %eq3A_132 : vector<16xi1>
    %and3A_134 = arith.constant 65535 : i32
    %and3A_135 = vector.broadcast %and3A_134 : i32 to vector<16xi32>
    %and3A_136 = arith.andi %scan3A_72#4, %and3A_135 : vector<16xi32>
    tpu.vector_store_idx %arg5[%and3A_136], %add3A_115 masked %and3A_133 : memref<65536xi32, #tpu.memory_space<vmem>>[vector<16xi32>], vector<16xi32>, vector<16xi1>
    %add3A_137 = arith.constant 16 : i32
    %add3A_138 = vector.broadcast %add3A_137 : i32 to vector<16xi32>
    %add3A_139 = arith.addi %add3A_115, %add3A_138 : vector<16xi32>
    %scan3A_140 = arith.constant 1011 : i32
    %scan3A_141 = arith.addi %scan3A, %scan3A_140 : i32
    %add3A_142 = arith.constant 12 : i32
    %add3A_143 = arith.addi %scan3A_141, %add3A_142 : i32
    %mul3A_144 = arith.constant 16 : i32
    %mul3A_145 = arith.muli %add3A_143, %mul3A_144 : i32
    %get3A_146 = arith.index_cast %mul3A_145 : i32 to index
    %get3A_147 = tpu.vector_load %arg4[%get3A_146] {strides = array<i32>} : memref<16384xi32, #tpu.memory_space<vmem>>, vector<16xi32>,
    %broadcast_in_dim3A_148 = arith.constant true
    %broadcast_in_dim3A_149 = vector.broadcast %broadcast_in_dim3A_148 : i1 to vector<16xi1>
    %unique3A_150, %unique3A_151 = tpu.scan_count mask(%broadcast_in_dim3A_149 : vector<16xi1>) value(%get3A_147 : vector<16xi32>) : vector<16xi1>, vector<16xi32>
    %shift_right_arithmetic3A_152 = arith.constant 16 : i32
    %shift_right_arithmetic3A_153 = vector.broadcast %shift_right_arithmetic3A_152 : i32 to vector<16xi32>
    %shift_right_arithmetic3A_154 = arith.shrsi %scan3A_72#6, %shift_right_arithmetic3A_153 : vector<16xi32>
    %eq3A_155 = vector.broadcast %arg1 : i32 to vector<16xi32>
    %eq3A_156 = arith.cmpi eq, %shift_right_arithmetic3A_154, %eq3A_155 : vector<16xi32>
    %and3A_157 = arith.andi %scan3A_72#7, %eq3A_156 : vector<16xi1>
    %and3A_158 = arith.constant 65535 : i32
    %and3A_159 = vector.broadcast %and3A_158 : i32 to vector<16xi32>
    %and3A_160 = arith.andi %scan3A_72#6, %and3A_159 : vector<16xi32>
    tpu.vector_store_idx %arg5[%and3A_160], %add3A_139 masked %and3A_157 : memref<65536xi32, #tpu.memory_space<vmem>>[vector<16xi32>], vector<16xi32>, vector<16xi1>
    %add3A_161 = arith.constant 16 : i32
    %add3A_162 = vector.broadcast %add3A_161 : i32 to vector<16xi32>
    %add3A_163 = arith.addi %add3A_139, %add3A_162 : vector<16xi32>
    %scan3A_164 = arith.constant 1012 : i32
    %add3A_165 = arith.constant 0 : i32
    %add3A_166 = vector.broadcast %add3A_165 : i32 to vector<16xi32>
    %add3A_167 = arith.addi %add3A_163, %add3A_166 : vector<16xi32>
    %shift_right_arithmetic3A_168 = arith.constant 16 : i32
    %shift_right_arithmetic3A_169 = vector.broadcast %shift_right_arithmetic3A_168 : i32 to vector<16xi32>
    %shift_right_arithmetic3A_170 = arith.shrsi %scan3A_72#8, %shift_right_arithmetic3A_169 : vector<16xi32>
    %eq3A_171 = vector.broadcast %arg1 : i32 to vector<16xi32>
    %eq3A_172 = arith.cmpi eq, %shift_right_arithmetic3A_170, %eq3A_171 : vector<16xi32>
    %and3A_173 = arith.andi %scan3A_72#9, %eq3A_172 : vector<16xi1>
    %and3A_174 = arith.constant 65535 : i32
    %and3A_175 = vector.broadcast %and3A_174 : i32 to vector<16xi32>
    %and3A_176 = arith.andi %scan3A_72#8, %and3A_175 : vector<16xi32>
    tpu.vector_store_idx %arg5[%and3A_176], %add3A_167 masked %and3A_173 : memref<65536xi32, #tpu.memory_space<vmem>>[vector<16xi32>], vector<16xi32>, vector<16xi1>
    %add3A_177 = arith.constant 16 : i32
    %add3A_178 = vector.broadcast %add3A_177 : i32 to vector<16xi32>
    %add3A_179 = arith.addi %add3A_163, %add3A_178 : vector<16xi32>
    %shift_right_arithmetic3A_180 = arith.constant 16 : i32
    %shift_right_arithmetic3A_181 = vector.broadcast %shift_right_arithmetic3A_180 : i32 to vector<16xi32>
    %shift_right_arithmetic3A_182 = arith.shrsi %scan3A_72#10, %shift_right_arithmetic3A_181 : vector<16xi32>
    %eq3A_183 = vector.broadcast %arg1 : i32 to vector<16xi32>
    %eq3A_184 = arith.cmpi eq, %shift_right_arithmetic3A_182, %eq3A_183 : vector<16xi32>
    %and3A_185 = arith.andi %scan3A_72#11, %eq3A_184 : vector<16xi1>
    %and3A_186 = arith.constant 65535 : i32
    %and3A_187 = vector.broadcast %and3A_186 : i32 to vector<16xi32>
    %and3A_188 = arith.andi %scan3A_72#10, %and3A_187 : vector<16xi32>
    tpu.vector_store_idx %arg5[%and3A_188], %add3A_179 masked %and3A_185 : memref<65536xi32, #tpu.memory_space<vmem>>[vector<16xi32>], vector<16xi32>, vector<16xi1>
    %add3A_189 = arith.constant 32 : i32
    %add3A_190 = vector.broadcast %add3A_189 : i32 to vector<16xi32>
    %add3A_191 = arith.addi %add3A_163, %add3A_190 : vector<16xi32>
    %shift_right_arithmetic3A_192 = arith.constant 16 : i32
    %shift_right_arithmetic3A_193 = vector.broadcast %shift_right_arithmetic3A_192 : i32 to vector<16xi32>
    %shift_right_arithmetic3A_194 = arith.shrsi %scan3A_72#12, %shift_right_arithmetic3A_193 : vector<16xi32>
    %eq3A_195 = vector.broadcast %arg1 : i32 to vector<16xi32>
    %eq3A_196 = arith.cmpi eq, %shift_right_arithmetic3A_194, %eq3A_195 : vector<16xi32>
    %and3A_197 = arith.andi %scan3A_72#13, %eq3A_196 : vector<16xi1>
    %and3A_198 = arith.constant 65535 : i32
    %and3A_199 = vector.broadcast %and3A_198 : i32 to vector<16xi32>
    %and3A_200 = arith.andi %scan3A_72#12, %and3A_199 : vector<16xi32>
    tpu.vector_store_idx %arg5[%and3A_200], %add3A_191 masked %and3A_197 : memref<65536xi32, #tpu.memory_space<vmem>>[vector<16xi32>], vector<16xi32>, vector<16xi1>
    %add3A_201 = arith.constant 48 : i32
    %add3A_202 = vector.broadcast %add3A_201 : i32 to vector<16xi32>
    %add3A_203 = arith.addi %add3A_163, %add3A_202 : vector<16xi32>
    %shift_right_arithmetic3A_204 = arith.constant 16 : i32
    %shift_right_arithmetic3A_205 = vector.broadcast %shift_right_arithmetic3A_204 : i32 to vector<16xi32>
    %shift_right_arithmetic3A_206 = arith.shrsi %scan3A_72#14, %shift_right_arithmetic3A_205 : vector<16xi32>
    %eq3A_207 = vector.broadcast %arg1 : i32 to vector<16xi32>
    %eq3A_208 = arith.cmpi eq, %shift_right_arithmetic3A_206, %eq3A_207 : vector<16xi32>
    %and3A_209 = arith.andi %scan3A_72#15, %eq3A_208 : vector<16xi1>
    %and3A_210 = arith.constant 65535 : i32
    %and3A_211 = vector.broadcast %and3A_210 : i32 to vector<16xi32>
    %and3A_212 = arith.andi %scan3A_72#14, %and3A_211 : vector<16xi32>
    tpu.vector_store_idx %arg5[%and3A_212], %add3A_203 masked %and3A_209 : memref<65536xi32, #tpu.memory_space<vmem>>[vector<16xi32>], vector<16xi32>, vector<16xi1>
    %add3A_213 = arith.constant 64 : i32
    %add3A_214 = vector.broadcast %add3A_213 : i32 to vector<16xi32>
    %add3A_215 = arith.addi %add3A_163, %add3A_214 : vector<16xi32>
    %shift_right_arithmetic3A_216 = arith.constant 16 : i32
    %shift_right_arithmetic3A_217 = vector.broadcast %shift_right_arithmetic3A_216 : i32 to vector<16xi32>
    %shift_right_arithmetic3A_218 = arith.shrsi %scan3A_72#16, %shift_right_arithmetic3A_217 : vector<16xi32>
    %eq3A_219 = vector.broadcast %arg1 : i32 to vector<16xi32>
    %eq3A_220 = arith.cmpi eq, %shift_right_arithmetic3A_218, %eq3A_219 : vector<16xi32>
    %and3A_221 = arith.andi %scan3A_72#17, %eq3A_220 : vector<16xi1>
    %and3A_222 = arith.constant 65535 : i32
    %and3A_223 = vector.broadcast %and3A_222 : i32 to vector<16xi32>
    %and3A_224 = arith.andi %scan3A_72#16, %and3A_223 : vector<16xi32>
    tpu.vector_store_idx %arg5[%and3A_224], %add3A_215 masked %and3A_221 : memref<65536xi32, #tpu.memory_space<vmem>>[vector<16xi32>], vector<16xi32>, vector<16xi1>
    %add3A_225 = arith.constant 80 : i32
    %add3A_226 = vector.broadcast %add3A_225 : i32 to vector<16xi32>
    %add3A_227 = arith.addi %add3A_163, %add3A_226 : vector<16xi32>
    %shift_right_arithmetic3A_228 = arith.constant 16 : i32
    %shift_right_arithmetic3A_229 = vector.broadcast %shift_right_arithmetic3A_228 : i32 to vector<16xi32>
    %shift_right_arithmetic3A_230 = arith.shrsi %scan3A_72#18, %shift_right_arithmetic3A_229 : vector<16xi32>
    %eq3A_231 = vector.broadcast %arg1 : i32 to vector<16xi32>
    %eq3A_232 = arith.cmpi eq, %shift_right_arithmetic3A_230, %eq3A_231 : vector<16xi32>
    %and3A_233 = arith.andi %scan3A_72#19, %eq3A_232 : vector<16xi1>
    %and3A_234 = arith.constant 65535 : i32
    %and3A_235 = vector.broadcast %and3A_234 : i32 to vector<16xi32>
    %and3A_236 = arith.andi %scan3A_72#18, %and3A_235 : vector<16xi32>
    tpu.vector_store_idx %arg5[%and3A_236], %add3A_227 masked %and3A_233 : memref<65536xi32, #tpu.memory_space<vmem>>[vector<16xi32>], vector<16xi32>, vector<16xi1>
    %add3A_237 = arith.constant 96 : i32
    %add3A_238 = vector.broadcast %add3A_237 : i32 to vector<16xi32>
    %add3A_239 = arith.addi %add3A_163, %add3A_238 : vector<16xi32>
    %shift_right_arithmetic3A_240 = arith.constant 16 : i32
    %shift_right_arithmetic3A_241 = vector.broadcast %shift_right_arithmetic3A_240 : i32 to vector<16xi32>
    %shift_right_arithmetic3A_242 = arith.shrsi %scan3A_72#20, %shift_right_arithmetic3A_241 : vector<16xi32>
    %eq3A_243 = vector.broadcast %arg1 : i32 to vector<16xi32>
    %eq3A_244 = arith.cmpi eq, %shift_right_arithmetic3A_242, %eq3A_243 : vector<16xi32>
    %and3A_245 = arith.andi %scan3A_72#21, %eq3A_244 : vector<16xi1>
    %and3A_246 = arith.constant 65535 : i32
    %and3A_247 = vector.broadcast %and3A_246 : i32 to vector<16xi32>
    %and3A_248 = arith.andi %scan3A_72#20, %and3A_247 : vector<16xi32>
    tpu.vector_store_idx %arg5[%and3A_248], %add3A_239 masked %and3A_245 : memref<65536xi32, #tpu.memory_space<vmem>>[vector<16xi32>], vector<16xi32>, vector<16xi1>
    %add3A_249 = arith.constant 112 : i32
    %add3A_250 = vector.broadcast %add3A_249 : i32 to vector<16xi32>
    %add3A_251 = arith.addi %add3A_163, %add3A_250 : vector<16xi32>
    %shift_right_arithmetic3A_252 = arith.constant 16 : i32
    %shift_right_arithmetic3A_253 = vector.broadcast %shift_right_arithmetic3A_252 : i32 to vector<16xi32>
    %shift_right_arithmetic3A_254 = arith.shrsi %scan3A_72#22, %shift_right_arithmetic3A_253 : vector<16xi32>
    %eq3A_255 = vector.broadcast %arg1 : i32 to vector<16xi32>
    %eq3A_256 = arith.cmpi eq, %shift_right_arithmetic3A_254, %eq3A_255 : vector<16xi32>
    %and3A_257 = arith.andi %scan3A_72#23, %eq3A_256 : vector<16xi1>
    %and3A_258 = arith.constant 65535 : i32
    %and3A_259 = vector.broadcast %and3A_258 : i32 to vector<16xi32>
    %and3A_260 = arith.andi %scan3A_72#22, %and3A_259 : vector<16xi32>
    tpu.vector_store_idx %arg5[%and3A_260], %add3A_251 masked %and3A_257 : memref<65536xi32, #tpu.memory_space<vmem>>[vector<16xi32>], vector<16xi32>, vector<16xi1>
    %add3A_261 = arith.constant 128 : i32
    %add3A_262 = vector.broadcast %add3A_261 : i32 to vector<16xi32>
    %add3A_263 = arith.addi %add3A_163, %add3A_262 : vector<16xi32>
    %shift_right_arithmetic3A_264 = arith.constant 16 : i32
    %shift_right_arithmetic3A_265 = vector.broadcast %shift_right_arithmetic3A_264 : i32 to vector<16xi32>
    %shift_right_arithmetic3A_266 = arith.shrsi %get3A_78, %shift_right_arithmetic3A_265 : vector<16xi32>
    %eq3A_267 = vector.broadcast %arg1 : i32 to vector<16xi32>
    %eq3A_268 = arith.cmpi eq, %shift_right_arithmetic3A_266, %eq3A_267 : vector<16xi32>
    %and3A_269 = arith.andi %unique3A_81, %eq3A_268 : vector<16xi1>
    %and3A_270 = arith.constant 65535 : i32
    %and3A_271 = vector.broadcast %and3A_270 : i32 to vector<16xi32>
    %and3A_272 = arith.andi %get3A_78, %and3A_271 : vector<16xi32>
    tpu.vector_store_idx %arg5[%and3A_272], %add3A_263 masked %and3A_269 : memref<65536xi32, #tpu.memory_space<vmem>>[vector<16xi32>], vector<16xi32>, vector<16xi1>
    %add3A_273 = arith.constant 144 : i32
    %add3A_274 = vector.broadcast %add3A_273 : i32 to vector<16xi32>
    %add3A_275 = arith.addi %add3A_163, %add3A_274 : vector<16xi32>
    %shift_right_arithmetic3A_276 = arith.constant 16 : i32
    %shift_right_arithmetic3A_277 = vector.broadcast %shift_right_arithmetic3A_276 : i32 to vector<16xi32>
    %shift_right_arithmetic3A_278 = arith.shrsi %get3A_99, %shift_right_arithmetic3A_277 : vector<16xi32>
    %eq3A_279 = vector.broadcast %arg1 : i32 to vector<16xi32>
    %eq3A_280 = arith.cmpi eq, %shift_right_arithmetic3A_278, %eq3A_279 : vector<16xi32>
    %and3A_281 = arith.andi %unique3A_102, %eq3A_280 : vector<16xi1>
    %and3A_282 = arith.constant 65535 : i32
    %and3A_283 = vector.broadcast %and3A_282 : i32 to vector<16xi32>
    %and3A_284 = arith.andi %get3A_99, %and3A_283 : vector<16xi32>
    tpu.vector_store_idx %arg5[%and3A_284], %add3A_275 masked %and3A_281 : memref<65536xi32, #tpu.memory_space<vmem>>[vector<16xi32>], vector<16xi32>, vector<16xi1>
    %add3A_285 = arith.constant 160 : i32
    %add3A_286 = vector.broadcast %add3A_285 : i32 to vector<16xi32>
    %add3A_287 = arith.addi %add3A_163, %add3A_286 : vector<16xi32>
    %shift_right_arithmetic3A_288 = arith.constant 16 : i32
    %shift_right_arithmetic3A_289 = vector.broadcast %shift_right_arithmetic3A_288 : i32 to vector<16xi32>
    %shift_right_arithmetic3A_290 = arith.shrsi %get3A_123, %shift_right_arithmetic3A_289 : vector<16xi32>
    %eq3A_291 = vector.broadcast %arg1 : i32 to vector<16xi32>
    %eq3A_292 = arith.cmpi eq, %shift_right_arithmetic3A_290, %eq3A_291 : vector<16xi32>
    %and3A_293 = arith.andi %unique3A_126, %eq3A_292 : vector<16xi1>
    %and3A_294 = arith.constant 65535 : i32
    %and3A_295 = vector.broadcast %and3A_294 : i32 to vector<16xi32>
    %and3A_296 = arith.andi %get3A_123, %and3A_295 : vector<16xi32>
    tpu.vector_store_idx %arg5[%and3A_296], %add3A_287 masked %and3A_293 : memref<65536xi32, #tpu.memory_space<vmem>>[vector<16xi32>], vector<16xi32>, vector<16xi1>
    %add3A_297 = arith.constant 176 : i32
    %add3A_298 = vector.broadcast %add3A_297 : i32 to vector<16xi32>
    %add3A_299 = arith.addi %add3A_163, %add3A_298 : vector<16xi32>
    %shift_right_arithmetic3A_300 = arith.constant 16 : i32
    %shift_right_arithmetic3A_301 = vector.broadcast %shift_right_arithmetic3A_300 : i32 to vector<16xi32>
    %shift_right_arithmetic3A_302 = arith.shrsi %get3A_147, %shift_right_arithmetic3A_301 : vector<16xi32>
    %eq3A_303 = vector.broadcast %arg1 : i32 to vector<16xi32>
    %eq3A_304 = arith.cmpi eq, %shift_right_arithmetic3A_302, %eq3A_303 : vector<16xi32>
    %and3A_305 = arith.andi %unique3A_150, %eq3A_304 : vector<16xi1>
    %and3A_306 = arith.constant 65535 : i32
    %and3A_307 = vector.broadcast %and3A_306 : i32 to vector<16xi32>
    %and3A_308 = arith.andi %get3A_147, %and3A_307 : vector<16xi32>
    tpu.vector_store_idx %arg5[%and3A_308], %add3A_299 masked %and3A_305 : memref<65536xi32, #tpu.memory_space<vmem>>[vector<16xi32>], vector<16xi32>, vector<16xi1>
    %mul3A_309 = arith.constant 65536 : i32
    %mul3A_310 = arith.muli %arg1, %mul3A_309 : i32
    "tpu.region"() ({
      %run_scoped3A = tpu.sem_alloc : memref<!tpu.dma_semaphore, #tpu.memory_space<semaphore_mem>>
      %dma_start3A = tpu.memref_slice %arg3[%mul3A_310] : memref<1048576xi32, #tpu.memory_space<hbm>> -> memref<65536xi32, #tpu.memory_space<hbm>>
      %dma_start3A_311 = tpu.memref_slice %arg3[%mul3A_310] : memref<1048576xi32, #tpu.memory_space<hbm>> -> memref<65536xi32, #tpu.memory_space<hbm>>
      tpu.enqueue_dma source(%arg5 : memref<65536xi32, #tpu.memory_space<vmem>>) target(%dma_start3A_311 : memref<65536xi32, #tpu.memory_space<hbm>>) target_semaphore(%run_scoped3A : memref<!tpu.dma_semaphore, #tpu.memory_space<semaphore_mem>>)
      %dma_wait3A = tpu.memref_slice %arg3[%mul3A_310] : memref<1048576xi32, #tpu.memory_space<hbm>> -> memref<65536xi32, #tpu.memory_space<hbm>>
      %dma_wait3A_312 = tpu.memref_slice %arg3[%mul3A_310] : memref<1048576xi32, #tpu.memory_space<hbm>> -> memref<65536xi32, #tpu.memory_space<hbm>>
      tpu.wait_dma2 semaphore(%run_scoped3A : memref<!tpu.dma_semaphore, #tpu.memory_space<semaphore_mem>>) src(%arg5 : memref<65536xi32, #tpu.memory_space<vmem>>) dst(%dma_wait3A_312 : memref<65536xi32, #tpu.memory_space<hbm>>)
      tpu.yield
    }) : () -> ()
    return
  }
}

#map = affine_map<(d0, d1) -> (0, 0)>
#map1 = affine_map<(d0, d1) -> (0)>
module attributes {stable_mosaic.version = 14 : i64} {
  func.func @_gather_out(%arg0: i32, %arg1: i32, %arg2: memref<128x128xi32, #tpu.memory_space<hbm>>, %arg3: memref<1048576xi32, #tpu.memory_space<hbm>>, %arg4: memref<16384x64xf32, #tpu.memory_space<hbm>>, %arg5: memref<16384x64xf32, #tpu.memory_space<hbm>>, %arg6: memref<8x128xi32, #tpu.memory_space<vmem>>, %arg7: memref<1024xi32, #tpu.memory_space<vmem>>, %arg8: memref<1024x64xf32, #tpu.memory_space<vmem>>, %arg9: memref<!tpu.dma_semaphore, #tpu.memory_space<semaphore_mem>>, %arg10: memref<!tpu.dma_semaphore, #tpu.memory_space<semaphore_mem>>) attributes {dimension_semantics = [#tpu.dimension_semantics<core_parallel>, #tpu.dimension_semantics<subcore_parallel>], iteration_bounds = array<i64: 1, 16>, scalar_prefetch = 0 : i64, scratch_operands = 5 : i64, tpu.core_type = #tpu.core_type<sc_vector_subcore>, window_params = [{transform_indices = #map}, {transform_indices = #map1}, {transform_indices = #map}, {transform_indices = #map}]} {
    %mul3A = arith.constant 1024 : i32
    %mul3A_0 = arith.muli %arg1, %mul3A : i32
    %mul3A_1 = arith.constant 8 : i32
    %mul3A_2 = arith.muli %arg1, %mul3A_1 : i32
    "tpu.region"() ({
      %run_scoped3A = tpu.sem_alloc : memref<!tpu.dma_semaphore, #tpu.memory_space<semaphore_mem>>
      %dma_start3A_432 = arith.constant 0 : i32
      %dma_start3A_433 = tpu.memref_slice %arg2[%mul3A_2, %dma_start3A_432] : memref<128x128xi32, #tpu.memory_space<hbm>> -> memref<8x128xi32, #tpu.memory_space<hbm>>
      %dma_start3A_434 = arith.constant 0 : i32
      %dma_start3A_435 = tpu.memref_slice %arg2[%mul3A_2, %dma_start3A_434] : memref<128x128xi32, #tpu.memory_space<hbm>> -> memref<8x128xi32, #tpu.memory_space<hbm>>
      tpu.enqueue_dma source(%dma_start3A_435 : memref<8x128xi32, #tpu.memory_space<hbm>>) target(%arg6 : memref<8x128xi32, #tpu.memory_space<vmem>>) target_semaphore(%run_scoped3A : memref<!tpu.dma_semaphore, #tpu.memory_space<semaphore_mem>>)
      %dma_wait3A_436 = arith.constant 0 : i32
      %dma_wait3A_437 = tpu.memref_slice %arg2[%mul3A_2, %dma_wait3A_436] : memref<128x128xi32, #tpu.memory_space<hbm>> -> memref<8x128xi32, #tpu.memory_space<hbm>>
      %dma_wait3A_438 = arith.constant 0 : i32
      %dma_wait3A_439 = tpu.memref_slice %arg2[%mul3A_2, %dma_wait3A_438] : memref<128x128xi32, #tpu.memory_space<hbm>> -> memref<8x128xi32, #tpu.memory_space<hbm>>
      tpu.wait_dma2 semaphore(%run_scoped3A : memref<!tpu.dma_semaphore, #tpu.memory_space<semaphore_mem>>) src(%dma_wait3A_439 : memref<8x128xi32, #tpu.memory_space<hbm>>) dst(%arg6 : memref<8x128xi32, #tpu.memory_space<vmem>>)
      tpu.yield
    }) : () -> ()
    %dma_start3A = arith.constant 0 : i32
    %dma_start3A_3 = arith.constant 0 : i32
    %dma_start3A_4 = tpu.memref_slice %arg7[%dma_start3A_3] : memref<1024xi32, #tpu.memory_space<vmem>> -> memref<128xi32, #tpu.memory_space<vmem>>
    %dma_start3A_5 = arith.constant 0 : i32
    %dma_start3A_6 = tpu.memref_slice %arg6[%dma_start3A, %dma_start3A_5] : memref<8x128xi32, #tpu.memory_space<vmem>> -> memref<1x128xi32, #tpu.memory_space<vmem>>
    %dma_start3A_7 = tpu.memref_squeeze %dma_start3A_6 : memref<1x128xi32, #tpu.memory_space<vmem>> -> memref<128xi32, #tpu.memory_space<vmem>>
    %dma_start3A_8 = arith.constant 0 : i32
    %dma_start3A_9 = tpu.memref_slice %arg3[%dma_start3A_8] : memref<1048576xi32, #tpu.memory_space<hbm>> -> memref<1048576xi32, #tpu.memory_space<hbm>>
    tpu.enqueue_indirect_dma source(%dma_start3A_9 : memref<1048576xi32, #tpu.memory_space<hbm>>) target(%dma_start3A_4 : memref<128xi32, #tpu.memory_space<vmem>>) offsets(%dma_start3A_7 : memref<128xi32, #tpu.memory_space<vmem>>) semaphore(%arg9 : memref<!tpu.dma_semaphore, #tpu.memory_space<semaphore_mem>>)
    %dma_start3A_10 = arith.constant 1 : i32
    %dma_start3A_11 = arith.constant 128 : i32
    %dma_start3A_12 = tpu.memref_slice %arg7[%dma_start3A_11] : memref<1024xi32, #tpu.memory_space<vmem>> -> memref<128xi32, #tpu.memory_space<vmem>>
    %dma_start3A_13 = arith.constant 0 : i32
    %dma_start3A_14 = tpu.memref_slice %arg6[%dma_start3A_10, %dma_start3A_13] : memref<8x128xi32, #tpu.memory_space<vmem>> -> memref<1x128xi32, #tpu.memory_space<vmem>>
    %dma_start3A_15 = tpu.memref_squeeze %dma_start3A_14 : memref<1x128xi32, #tpu.memory_space<vmem>> -> memref<128xi32, #tpu.memory_space<vmem>>
    %dma_start3A_16 = arith.constant 0 : i32
    %dma_start3A_17 = tpu.memref_slice %arg3[%dma_start3A_16] : memref<1048576xi32, #tpu.memory_space<hbm>> -> memref<1048576xi32, #tpu.memory_space<hbm>>
    tpu.enqueue_indirect_dma source(%dma_start3A_17 : memref<1048576xi32, #tpu.memory_space<hbm>>) target(%dma_start3A_12 : memref<128xi32, #tpu.memory_space<vmem>>) offsets(%dma_start3A_15 : memref<128xi32, #tpu.memory_space<vmem>>) semaphore(%arg9 : memref<!tpu.dma_semaphore, #tpu.memory_space<semaphore_mem>>)
    %dma_start3A_18 = arith.constant 2 : i32
    %dma_start3A_19 = arith.constant 256 : i32
    %dma_start3A_20 = tpu.memref_slice %arg7[%dma_start3A_19] : memref<1024xi32, #tpu.memory_space<vmem>> -> memref<128xi32, #tpu.memory_space<vmem>>
    %dma_start3A_21 = arith.constant 0 : i32
    %dma_start3A_22 = tpu.memref_slice %arg6[%dma_start3A_18, %dma_start3A_21] : memref<8x128xi32, #tpu.memory_space<vmem>> -> memref<1x128xi32, #tpu.memory_space<vmem>>
    %dma_start3A_23 = tpu.memref_squeeze %dma_start3A_22 : memref<1x128xi32, #tpu.memory_space<vmem>> -> memref<128xi32, #tpu.memory_space<vmem>>
    %dma_start3A_24 = arith.constant 0 : i32
    %dma_start3A_25 = tpu.memref_slice %arg3[%dma_start3A_24] : memref<1048576xi32, #tpu.memory_space<hbm>> -> memref<1048576xi32, #tpu.memory_space<hbm>>
    tpu.enqueue_indirect_dma source(%dma_start3A_25 : memref<1048576xi32, #tpu.memory_space<hbm>>) target(%dma_start3A_20 : memref<128xi32, #tpu.memory_space<vmem>>) offsets(%dma_start3A_23 : memref<128xi32, #tpu.memory_space<vmem>>) semaphore(%arg9 : memref<!tpu.dma_semaphore, #tpu.memory_space<semaphore_mem>>)
    %dma_start3A_26 = arith.constant 3 : i32
    %dma_start3A_27 = arith.constant 384 : i32
    %dma_start3A_28 = tpu.memref_slice %arg7[%dma_start3A_27] : memref<1024xi32, #tpu.memory_space<vmem>> -> memref<128xi32, #tpu.memory_space<vmem>>
    %dma_start3A_29 = arith.constant 0 : i32
    %dma_start3A_30 = tpu.memref_slice %arg6[%dma_start3A_26, %dma_start3A_29] : memref<8x128xi32, #tpu.memory_space<vmem>> -> memref<1x128xi32, #tpu.memory_space<vmem>>
    %dma_start3A_31 = tpu.memref_squeeze %dma_start3A_30 : memref<1x128xi32, #tpu.memory_space<vmem>> -> memref<128xi32, #tpu.memory_space<vmem>>
    %dma_start3A_32 = arith.constant 0 : i32
    %dma_start3A_33 = tpu.memref_slice %arg3[%dma_start3A_32] : memref<1048576xi32, #tpu.memory_space<hbm>> -> memref<1048576xi32, #tpu.memory_space<hbm>>
    tpu.enqueue_indirect_dma source(%dma_start3A_33 : memref<1048576xi32, #tpu.memory_space<hbm>>) target(%dma_start3A_28 : memref<128xi32, #tpu.memory_space<vmem>>) offsets(%dma_start3A_31 : memref<128xi32, #tpu.memory_space<vmem>>) semaphore(%arg9 : memref<!tpu.dma_semaphore, #tpu.memory_space<semaphore_mem>>)
    %dma_start3A_34 = arith.constant 4 : i32
    %dma_start3A_35 = arith.constant 512 : i32
    %dma_start3A_36 = tpu.memref_slice %arg7[%dma_start3A_35] : memref<1024xi32, #tpu.memory_space<vmem>> -> memref<128xi32, #tpu.memory_space<vmem>>
    %dma_start3A_37 = arith.constant 0 : i32
    %dma_start3A_38 = tpu.memref_slice %arg6[%dma_start3A_34, %dma_start3A_37] : memref<8x128xi32, #tpu.memory_space<vmem>> -> memref<1x128xi32, #tpu.memory_space<vmem>>
    %dma_start3A_39 = tpu.memref_squeeze %dma_start3A_38 : memref<1x128xi32, #tpu.memory_space<vmem>> -> memref<128xi32, #tpu.memory_space<vmem>>
    %dma_start3A_40 = arith.constant 0 : i32
    %dma_start3A_41 = tpu.memref_slice %arg3[%dma_start3A_40] : memref<1048576xi32, #tpu.memory_space<hbm>> -> memref<1048576xi32, #tpu.memory_space<hbm>>
    tpu.enqueue_indirect_dma source(%dma_start3A_41 : memref<1048576xi32, #tpu.memory_space<hbm>>) target(%dma_start3A_36 : memref<128xi32, #tpu.memory_space<vmem>>) offsets(%dma_start3A_39 : memref<128xi32, #tpu.memory_space<vmem>>) semaphore(%arg9 : memref<!tpu.dma_semaphore, #tpu.memory_space<semaphore_mem>>)
    %dma_start3A_42 = arith.constant 5 : i32
    %dma_start3A_43 = arith.constant 640 : i32
    %dma_start3A_44 = tpu.memref_slice %arg7[%dma_start3A_43] : memref<1024xi32, #tpu.memory_space<vmem>> -> memref<128xi32, #tpu.memory_space<vmem>>
    %dma_start3A_45 = arith.constant 0 : i32
    %dma_start3A_46 = tpu.memref_slice %arg6[%dma_start3A_42, %dma_start3A_45] : memref<8x128xi32, #tpu.memory_space<vmem>> -> memref<1x128xi32, #tpu.memory_space<vmem>>
    %dma_start3A_47 = tpu.memref_squeeze %dma_start3A_46 : memref<1x128xi32, #tpu.memory_space<vmem>> -> memref<128xi32, #tpu.memory_space<vmem>>
    %dma_start3A_48 = arith.constant 0 : i32
    %dma_start3A_49 = tpu.memref_slice %arg3[%dma_start3A_48] : memref<1048576xi32, #tpu.memory_space<hbm>> -> memref<1048576xi32, #tpu.memory_space<hbm>>
    tpu.enqueue_indirect_dma source(%dma_start3A_49 : memref<1048576xi32, #tpu.memory_space<hbm>>) target(%dma_start3A_44 : memref<128xi32, #tpu.memory_space<vmem>>) offsets(%dma_start3A_47 : memref<128xi32, #tpu.memory_space<vmem>>) semaphore(%arg9 : memref<!tpu.dma_semaphore, #tpu.memory_space<semaphore_mem>>)
    %dma_start3A_50 = arith.constant 6 : i32
    %dma_start3A_51 = arith.constant 768 : i32
    %dma_start3A_52 = tpu.memref_slice %arg7[%dma_start3A_51] : memref<1024xi32, #tpu.memory_space<vmem>> -> memref<128xi32, #tpu.memory_space<vmem>>
    %dma_start3A_53 = arith.constant 0 : i32
    %dma_start3A_54 = tpu.memref_slice %arg6[%dma_start3A_50, %dma_start3A_53] : memref<8x128xi32, #tpu.memory_space<vmem>> -> memref<1x128xi32, #tpu.memory_space<vmem>>
    %dma_start3A_55 = tpu.memref_squeeze %dma_start3A_54 : memref<1x128xi32, #tpu.memory_space<vmem>> -> memref<128xi32, #tpu.memory_space<vmem>>
    %dma_start3A_56 = arith.constant 0 : i32
    %dma_start3A_57 = tpu.memref_slice %arg3[%dma_start3A_56] : memref<1048576xi32, #tpu.memory_space<hbm>> -> memref<1048576xi32, #tpu.memory_space<hbm>>
    tpu.enqueue_indirect_dma source(%dma_start3A_57 : memref<1048576xi32, #tpu.memory_space<hbm>>) target(%dma_start3A_52 : memref<128xi32, #tpu.memory_space<vmem>>) offsets(%dma_start3A_55 : memref<128xi32, #tpu.memory_space<vmem>>) semaphore(%arg9 : memref<!tpu.dma_semaphore, #tpu.memory_space<semaphore_mem>>)
    %dma_start3A_58 = arith.constant 7 : i32
    %dma_start3A_59 = arith.constant 896 : i32
    %dma_start3A_60 = tpu.memref_slice %arg7[%dma_start3A_59] : memref<1024xi32, #tpu.memory_space<vmem>> -> memref<128xi32, #tpu.memory_space<vmem>>
    %dma_start3A_61 = arith.constant 0 : i32
    %dma_start3A_62 = tpu.memref_slice %arg6[%dma_start3A_58, %dma_start3A_61] : memref<8x128xi32, #tpu.memory_space<vmem>> -> memref<1x128xi32, #tpu.memory_space<vmem>>
    %dma_start3A_63 = tpu.memref_squeeze %dma_start3A_62 : memref<1x128xi32, #tpu.memory_space<vmem>> -> memref<128xi32, #tpu.memory_space<vmem>>
    %dma_start3A_64 = arith.constant 0 : i32
    %dma_start3A_65 = tpu.memref_slice %arg3[%dma_start3A_64] : memref<1048576xi32, #tpu.memory_space<hbm>> -> memref<1048576xi32, #tpu.memory_space<hbm>>
    tpu.enqueue_indirect_dma source(%dma_start3A_65 : memref<1048576xi32, #tpu.memory_space<hbm>>) target(%dma_start3A_60 : memref<128xi32, #tpu.memory_space<vmem>>) offsets(%dma_start3A_63 : memref<128xi32, #tpu.memory_space<vmem>>) semaphore(%arg9 : memref<!tpu.dma_semaphore, #tpu.memory_space<semaphore_mem>>)
    %dma_wait3A = arith.constant 0 : i32
    %dma_wait3A_66 = arith.constant 0 : i32
    %dma_wait3A_67 = tpu.memref_slice %arg7[%dma_wait3A_66] : memref<1024xi32, #tpu.memory_space<vmem>> -> memref<128xi32, #tpu.memory_space<vmem>>
    %dma_wait3A_68 = arith.constant 0 : i32
    %dma_wait3A_69 = tpu.memref_slice %arg6[%dma_wait3A, %dma_wait3A_68] : memref<8x128xi32, #tpu.memory_space<vmem>> -> memref<1x128xi32, #tpu.memory_space<vmem>>
    %dma_wait3A_70 = tpu.memref_squeeze %dma_wait3A_69 : memref<1x128xi32, #tpu.memory_space<vmem>> -> memref<128xi32, #tpu.memory_space<vmem>>
    %dma_wait3A_71 = arith.constant 0 : i32
    %dma_wait3A_72 = tpu.memref_slice %arg3[%dma_wait3A_71] : memref<1048576xi32, #tpu.memory_space<hbm>> -> memref<1048576xi32, #tpu.memory_space<hbm>>
    tpu.wait_indirect_dma semaphore(%arg9 : memref<!tpu.dma_semaphore, #tpu.memory_space<semaphore_mem>>) src(%dma_wait3A_72 : memref<1048576xi32, #tpu.memory_space<hbm>>) dst(%dma_wait3A_67 : memref<128xi32, #tpu.memory_space<vmem>>)
    %dma_start3A_73 = arith.constant 0 : i32
    %dma_start3A_74 = arith.constant 0 : i32
    %dma_start3A_75 = tpu.memref_slice %arg8[%dma_start3A_73, %dma_start3A_74] : memref<1024x64xf32, #tpu.memory_space<vmem>> -> memref<128x64xf32, #tpu.memory_space<vmem>>
    %dma_start3A_76 = arith.constant 0 : i32
    %dma_start3A_77 = tpu.memref_slice %arg7[%dma_start3A_76] : memref<1024xi32, #tpu.memory_space<vmem>> -> memref<128xi32, #tpu.memory_space<vmem>>
    %dma_start3A_78 = arith.constant 0 : i32
    %dma_start3A_79 = arith.constant 0 : i32
    %dma_start3A_80 = tpu.memref_slice %arg4[%dma_start3A_78, %dma_start3A_79] : memref<16384x64xf32, #tpu.memory_space<hbm>> -> memref<16384x64xf32, #tpu.memory_space<hbm>>
    tpu.enqueue_indirect_dma source(%dma_start3A_80 : memref<16384x64xf32, #tpu.memory_space<hbm>>) target(%dma_start3A_75 : memref<128x64xf32, #tpu.memory_space<vmem>>) offsets(%dma_start3A_77 : memref<128xi32, #tpu.memory_space<vmem>>) semaphore(%arg10 : memref<!tpu.dma_semaphore, #tpu.memory_space<semaphore_mem>>)
    %dma_wait3A_81 = arith.constant 1 : i32
    %dma_wait3A_82 = arith.constant 128 : i32
    %dma_wait3A_83 = tpu.memref_slice %arg7[%dma_wait3A_82] : memref<1024xi32, #tpu.memory_space<vmem>> -> memref<128xi32, #tpu.memory_space<vmem>>
    %dma_wait3A_84 = arith.constant 0 : i32
    %dma_wait3A_85 = tpu.memref_slice %arg6[%dma_wait3A_81, %dma_wait3A_84] : memref<8x128xi32, #tpu.memory_space<vmem>> -> memref<1x128xi32, #tpu.memory_space<vmem>>
    %dma_wait3A_86 = tpu.memref_squeeze %dma_wait3A_85 : memref<1x128xi32, #tpu.memory_space<vmem>> -> memref<128xi32, #tpu.memory_space<vmem>>
    %dma_wait3A_87 = arith.constant 0 : i32
    %dma_wait3A_88 = tpu.memref_slice %arg3[%dma_wait3A_87] : memref<1048576xi32, #tpu.memory_space<hbm>> -> memref<1048576xi32, #tpu.memory_space<hbm>>
    tpu.wait_indirect_dma semaphore(%arg9 : memref<!tpu.dma_semaphore, #tpu.memory_space<semaphore_mem>>) src(%dma_wait3A_88 : memref<1048576xi32, #tpu.memory_space<hbm>>) dst(%dma_wait3A_83 : memref<128xi32, #tpu.memory_space<vmem>>)
    %dma_start3A_89 = arith.constant 128 : i32
    %dma_start3A_90 = arith.constant 0 : i32
    %dma_start3A_91 = tpu.memref_slice %arg8[%dma_start3A_89, %dma_start3A_90] : memref<1024x64xf32, #tpu.memory_space<vmem>> -> memref<128x64xf32, #tpu.memory_space<vmem>>
    %dma_start3A_92 = arith.constant 128 : i32
    %dma_start3A_93 = tpu.memref_slice %arg7[%dma_start3A_92] : memref<1024xi32, #tpu.memory_space<vmem>> -> memref<128xi32, #tpu.memory_space<vmem>>
    %dma_start3A_94 = arith.constant 0 : i32
    %dma_start3A_95 = arith.constant 0 : i32
    %dma_start3A_96 = tpu.memref_slice %arg4[%dma_start3A_94, %dma_start3A_95] : memref<16384x64xf32, #tpu.memory_space<hbm>> -> memref<16384x64xf32, #tpu.memory_space<hbm>>
    tpu.enqueue_indirect_dma source(%dma_start3A_96 : memref<16384x64xf32, #tpu.memory_space<hbm>>) target(%dma_start3A_91 : memref<128x64xf32, #tpu.memory_space<vmem>>) offsets(%dma_start3A_93 : memref<128xi32, #tpu.memory_space<vmem>>) semaphore(%arg10 : memref<!tpu.dma_semaphore, #tpu.memory_space<semaphore_mem>>)
    %dma_wait3A_97 = arith.constant 2 : i32
    %dma_wait3A_98 = arith.constant 256 : i32
    %dma_wait3A_99 = tpu.memref_slice %arg7[%dma_wait3A_98] : memref<1024xi32, #tpu.memory_space<vmem>> -> memref<128xi32, #tpu.memory_space<vmem>>
    %dma_wait3A_100 = arith.constant 0 : i32
    %dma_wait3A_101 = tpu.memref_slice %arg6[%dma_wait3A_97, %dma_wait3A_100] : memref<8x128xi32, #tpu.memory_space<vmem>> -> memref<1x128xi32, #tpu.memory_space<vmem>>
    %dma_wait3A_102 = tpu.memref_squeeze %dma_wait3A_101 : memref<1x128xi32, #tpu.memory_space<vmem>> -> memref<128xi32, #tpu.memory_space<vmem>>
    %dma_wait3A_103 = arith.constant 0 : i32
    %dma_wait3A_104 = tpu.memref_slice %arg3[%dma_wait3A_103] : memref<1048576xi32, #tpu.memory_space<hbm>> -> memref<1048576xi32, #tpu.memory_space<hbm>>
    tpu.wait_indirect_dma semaphore(%arg9 : memref<!tpu.dma_semaphore, #tpu.memory_space<semaphore_mem>>) src(%dma_wait3A_104 : memref<1048576xi32, #tpu.memory_space<hbm>>) dst(%dma_wait3A_99 : memref<128xi32, #tpu.memory_space<vmem>>)
    %dma_start3A_105 = arith.constant 256 : i32
    %dma_start3A_106 = arith.constant 0 : i32
    %dma_start3A_107 = tpu.memref_slice %arg8[%dma_start3A_105, %dma_start3A_106] : memref<1024x64xf32, #tpu.memory_space<vmem>> -> memref<128x64xf32, #tpu.memory_space<vmem>>
    %dma_start3A_108 = arith.constant 256 : i32
    %dma_start3A_109 = tpu.memref_slice %arg7[%dma_start3A_108] : memref<1024xi32, #tpu.memory_space<vmem>> -> memref<128xi32, #tpu.memory_space<vmem>>
    %dma_start3A_110 = arith.constant 0 : i32
    %dma_start3A_111 = arith.constant 0 : i32
    %dma_start3A_112 = tpu.memref_slice %arg4[%dma_start3A_110, %dma_start3A_111] : memref<16384x64xf32, #tpu.memory_space<hbm>> -> memref<16384x64xf32, #tpu.memory_space<hbm>>
    tpu.enqueue_indirect_dma source(%dma_start3A_112 : memref<16384x64xf32, #tpu.memory_space<hbm>>) target(%dma_start3A_107 : memref<128x64xf32, #tpu.memory_space<vmem>>) offsets(%dma_start3A_109 : memref<128xi32, #tpu.memory_space<vmem>>) semaphore(%arg10 : memref<!tpu.dma_semaphore, #tpu.memory_space<semaphore_mem>>)
    %dma_wait3A_113 = arith.constant 3 : i32
    %dma_wait3A_114 = arith.constant 384 : i32
    %dma_wait3A_115 = tpu.memref_slice %arg7[%dma_wait3A_114] : memref<1024xi32, #tpu.memory_space<vmem>> -> memref<128xi32, #tpu.memory_space<vmem>>
    %dma_wait3A_116 = arith.constant 0 : i32
    %dma_wait3A_117 = tpu.memref_slice %arg6[%dma_wait3A_113, %dma_wait3A_116] : memref<8x128xi32, #tpu.memory_space<vmem>> -> memref<1x128xi32, #tpu.memory_space<vmem>>
    %dma_wait3A_118 = tpu.memref_squeeze %dma_wait3A_117 : memref<1x128xi32, #tpu.memory_space<vmem>> -> memref<128xi32, #tpu.memory_space<vmem>>
    %dma_wait3A_119 = arith.constant 0 : i32
    %dma_wait3A_120 = tpu.memref_slice %arg3[%dma_wait3A_119] : memref<1048576xi32, #tpu.memory_space<hbm>> -> memref<1048576xi32, #tpu.memory_space<hbm>>
    tpu.wait_indirect_dma semaphore(%arg9 : memref<!tpu.dma_semaphore, #tpu.memory_space<semaphore_mem>>) src(%dma_wait3A_120 : memref<1048576xi32, #tpu.memory_space<hbm>>) dst(%dma_wait3A_115 : memref<128xi32, #tpu.memory_space<vmem>>)
    %dma_start3A_121 = arith.constant 384 : i32
    %dma_start3A_122 = arith.constant 0 : i32
    %dma_start3A_123 = tpu.memref_slice %arg8[%dma_start3A_121, %dma_start3A_122] : memref<1024x64xf32, #tpu.memory_space<vmem>> -> memref<128x64xf32, #tpu.memory_space<vmem>>
    %dma_start3A_124 = arith.constant 384 : i32
    %dma_start3A_125 = tpu.memref_slice %arg7[%dma_start3A_124] : memref<1024xi32, #tpu.memory_space<vmem>> -> memref<128xi32, #tpu.memory_space<vmem>>
    %dma_start3A_126 = arith.constant 0 : i32
    %dma_start3A_127 = arith.constant 0 : i32
    %dma_start3A_128 = tpu.memref_slice %arg4[%dma_start3A_126, %dma_start3A_127] : memref<16384x64xf32, #tpu.memory_space<hbm>> -> memref<16384x64xf32, #tpu.memory_space<hbm>>
    tpu.enqueue_indirect_dma source(%dma_start3A_128 : memref<16384x64xf32, #tpu.memory_space<hbm>>) target(%dma_start3A_123 : memref<128x64xf32, #tpu.memory_space<vmem>>) offsets(%dma_start3A_125 : memref<128xi32, #tpu.memory_space<vmem>>) semaphore(%arg10 : memref<!tpu.dma_semaphore, #tpu.memory_space<semaphore_mem>>)
    %dma_wait3A_129 = arith.constant 4 : i32
    %dma_wait3A_130 = arith.constant 512 : i32
    %dma_wait3A_131 = tpu.memref_slice %arg7[%dma_wait3A_130] : memref<1024xi32, #tpu.memory_space<vmem>> -> memref<128xi32, #tpu.memory_space<vmem>>
    %dma_wait3A_132 = arith.constant 0 : i32
    %dma_wait3A_133 = tpu.memref_slice %arg6[%dma_wait3A_129, %dma_wait3A_132] : memref<8x128xi32, #tpu.memory_space<vmem>> -> memref<1x128xi32, #tpu.memory_space<vmem>>
    %dma_wait3A_134 = tpu.memref_squeeze %dma_wait3A_133 : memref<1x128xi32, #tpu.memory_space<vmem>> -> memref<128xi32, #tpu.memory_space<vmem>>
    %dma_wait3A_135 = arith.constant 0 : i32
    %dma_wait3A_136 = tpu.memref_slice %arg3[%dma_wait3A_135] : memref<1048576xi32, #tpu.memory_space<hbm>> -> memref<1048576xi32, #tpu.memory_space<hbm>>
    tpu.wait_indirect_dma semaphore(%arg9 : memref<!tpu.dma_semaphore, #tpu.memory_space<semaphore_mem>>) src(%dma_wait3A_136 : memref<1048576xi32, #tpu.memory_space<hbm>>) dst(%dma_wait3A_131 : memref<128xi32, #tpu.memory_space<vmem>>)
    %dma_start3A_137 = arith.constant 512 : i32
    %dma_start3A_138 = arith.constant 0 : i32
    %dma_start3A_139 = tpu.memref_slice %arg8[%dma_start3A_137, %dma_start3A_138] : memref<1024x64xf32, #tpu.memory_space<vmem>> -> memref<128x64xf32, #tpu.memory_space<vmem>>
    %dma_start3A_140 = arith.constant 512 : i32
    %dma_start3A_141 = tpu.memref_slice %arg7[%dma_start3A_140] : memref<1024xi32, #tpu.memory_space<vmem>> -> memref<128xi32, #tpu.memory_space<vmem>>
    %dma_start3A_142 = arith.constant 0 : i32
    %dma_start3A_143 = arith.constant 0 : i32
    %dma_start3A_144 = tpu.memref_slice %arg4[%dma_start3A_142, %dma_start3A_143] : memref<16384x64xf32, #tpu.memory_space<hbm>> -> memref<16384x64xf32, #tpu.memory_space<hbm>>
    tpu.enqueue_indirect_dma source(%dma_start3A_144 : memref<16384x64xf32, #tpu.memory_space<hbm>>) target(%dma_start3A_139 : memref<128x64xf32, #tpu.memory_space<vmem>>) offsets(%dma_start3A_141 : memref<128xi32, #tpu.memory_space<vmem>>) semaphore(%arg10 : memref<!tpu.dma_semaphore, #tpu.memory_space<semaphore_mem>>)
    %dma_wait3A_145 = arith.constant 5 : i32
    %dma_wait3A_146 = arith.constant 640 : i32
    %dma_wait3A_147 = tpu.memref_slice %arg7[%dma_wait3A_146] : memref<1024xi32, #tpu.memory_space<vmem>> -> memref<128xi32, #tpu.memory_space<vmem>>
    %dma_wait3A_148 = arith.constant 0 : i32
    %dma_wait3A_149 = tpu.memref_slice %arg6[%dma_wait3A_145, %dma_wait3A_148] : memref<8x128xi32, #tpu.memory_space<vmem>> -> memref<1x128xi32, #tpu.memory_space<vmem>>
    %dma_wait3A_150 = tpu.memref_squeeze %dma_wait3A_149 : memref<1x128xi32, #tpu.memory_space<vmem>> -> memref<128xi32, #tpu.memory_space<vmem>>
    %dma_wait3A_151 = arith.constant 0 : i32
    %dma_wait3A_152 = tpu.memref_slice %arg3[%dma_wait3A_151] : memref<1048576xi32, #tpu.memory_space<hbm>> -> memref<1048576xi32, #tpu.memory_space<hbm>>
    tpu.wait_indirect_dma semaphore(%arg9 : memref<!tpu.dma_semaphore, #tpu.memory_space<semaphore_mem>>) src(%dma_wait3A_152 : memref<1048576xi32, #tpu.memory_space<hbm>>) dst(%dma_wait3A_147 : memref<128xi32, #tpu.memory_space<vmem>>)
    %dma_start3A_153 = arith.constant 640 : i32
    %dma_start3A_154 = arith.constant 0 : i32
    %dma_start3A_155 = tpu.memref_slice %arg8[%dma_start3A_153, %dma_start3A_154] : memref<1024x64xf32, #tpu.memory_space<vmem>> -> memref<128x64xf32, #tpu.memory_space<vmem>>
    %dma_start3A_156 = arith.constant 640 : i32
    %dma_start3A_157 = tpu.memref_slice %arg7[%dma_start3A_156] : memref<1024xi32, #tpu.memory_space<vmem>> -> memref<128xi32, #tpu.memory_space<vmem>>
    %dma_start3A_158 = arith.constant 0 : i32
    %dma_start3A_159 = arith.constant 0 : i32
    %dma_start3A_160 = tpu.memref_slice %arg4[%dma_start3A_158, %dma_start3A_159] : memref<16384x64xf32, #tpu.memory_space<hbm>> -> memref<16384x64xf32, #tpu.memory_space<hbm>>
    tpu.enqueue_indirect_dma source(%dma_start3A_160 : memref<16384x64xf32, #tpu.memory_space<hbm>>) target(%dma_start3A_155 : memref<128x64xf32, #tpu.memory_space<vmem>>) offsets(%dma_start3A_157 : memref<128xi32, #tpu.memory_space<vmem>>) semaphore(%arg10 : memref<!tpu.dma_semaphore, #tpu.memory_space<semaphore_mem>>)
    %dma_wait3A_161 = arith.constant 6 : i32
    %dma_wait3A_162 = arith.constant 768 : i32
    %dma_wait3A_163 = tpu.memref_slice %arg7[%dma_wait3A_162] : memref<1024xi32, #tpu.memory_space<vmem>> -> memref<128xi32, #tpu.memory_space<vmem>>
    %dma_wait3A_164 = arith.constant 0 : i32
    %dma_wait3A_165 = tpu.memref_slice %arg6[%dma_wait3A_161, %dma_wait3A_164] : memref<8x128xi32, #tpu.memory_space<vmem>> -> memref<1x128xi32, #tpu.memory_space<vmem>>
    %dma_wait3A_166 = tpu.memref_squeeze %dma_wait3A_165 : memref<1x128xi32, #tpu.memory_space<vmem>> -> memref<128xi32, #tpu.memory_space<vmem>>
    %dma_wait3A_167 = arith.constant 0 : i32
    %dma_wait3A_168 = tpu.memref_slice %arg3[%dma_wait3A_167] : memref<1048576xi32, #tpu.memory_space<hbm>> -> memref<1048576xi32, #tpu.memory_space<hbm>>
    tpu.wait_indirect_dma semaphore(%arg9 : memref<!tpu.dma_semaphore, #tpu.memory_space<semaphore_mem>>) src(%dma_wait3A_168 : memref<1048576xi32, #tpu.memory_space<hbm>>) dst(%dma_wait3A_163 : memref<128xi32, #tpu.memory_space<vmem>>)
    %dma_start3A_169 = arith.constant 768 : i32
    %dma_start3A_170 = arith.constant 0 : i32
    %dma_start3A_171 = tpu.memref_slice %arg8[%dma_start3A_169, %dma_start3A_170] : memref<1024x64xf32, #tpu.memory_space<vmem>> -> memref<128x64xf32, #tpu.memory_space<vmem>>
    %dma_start3A_172 = arith.constant 768 : i32
    %dma_start3A_173 = tpu.memref_slice %arg7[%dma_start3A_172] : memref<1024xi32, #tpu.memory_space<vmem>> -> memref<128xi32, #tpu.memory_space<vmem>>
    %dma_start3A_174 = arith.constant 0 : i32
    %dma_start3A_175 = arith.constant 0 : i32
    %dma_start3A_176 = tpu.memref_slice %arg4[%dma_start3A_174, %dma_start3A_175] : memref<16384x64xf32, #tpu.memory_space<hbm>> -> memref<16384x64xf32, #tpu.memory_space<hbm>>
    tpu.enqueue_indirect_dma source(%dma_start3A_176 : memref<16384x64xf32, #tpu.memory_space<hbm>>) target(%dma_start3A_171 : memref<128x64xf32, #tpu.memory_space<vmem>>) offsets(%dma_start3A_173 : memref<128xi32, #tpu.memory_space<vmem>>) semaphore(%arg10 : memref<!tpu.dma_semaphore, #tpu.memory_space<semaphore_mem>>)
    %dma_wait3A_177 = arith.constant 7 : i32
    %dma_wait3A_178 = arith.constant 896 : i32
    %dma_wait3A_179 = tpu.memref_slice %arg7[%dma_wait3A_178] : memref<1024xi32, #tpu.memory_space<vmem>> -> memref<128xi32, #tpu.memory_space<vmem>>
    %dma_wait3A_180 = arith.constant 0 : i32
    %dma_wait3A_181 = tpu.memref_slice %arg6[%dma_wait3A_177, %dma_wait3A_180] : memref<8x128xi32, #tpu.memory_space<vmem>> -> memref<1x128xi32, #tpu.memory_space<vmem>>
    %dma_wait3A_182 = tpu.memref_squeeze %dma_wait3A_181 : memref<1x128xi32, #tpu.memory_space<vmem>> -> memref<128xi32, #tpu.memory_space<vmem>>
    %dma_wait3A_183 = arith.constant 0 : i32
    %dma_wait3A_184 = tpu.memref_slice %arg3[%dma_wait3A_183] : memref<1048576xi32, #tpu.memory_space<hbm>> -> memref<1048576xi32, #tpu.memory_space<hbm>>
    tpu.wait_indirect_dma semaphore(%arg9 : memref<!tpu.dma_semaphore, #tpu.memory_space<semaphore_mem>>) src(%dma_wait3A_184 : memref<1048576xi32, #tpu.memory_space<hbm>>) dst(%dma_wait3A_179 : memref<128xi32, #tpu.memory_space<vmem>>)
    %dma_start3A_185 = arith.constant 896 : i32
    %dma_start3A_186 = arith.constant 0 : i32
    %dma_start3A_187 = tpu.memref_slice %arg8[%dma_start3A_185, %dma_start3A_186] : memref<1024x64xf32, #tpu.memory_space<vmem>> -> memref<128x64xf32, #tpu.memory_space<vmem>>
    %dma_start3A_188 = arith.constant 896 : i32
    %dma_start3A_189 = tpu.memref_slice %arg7[%dma_start3A_188] : memref<1024xi32, #tpu.memory_space<vmem>> -> memref<128xi32, #tpu.memory_space<vmem>>
    %dma_start3A_190 = arith.constant 0 : i32
    %dma_start3A_191 = arith.constant 0 : i32
    %dma_start3A_192 = tpu.memref_slice %arg4[%dma_start3A_190, %dma_start3A_191] : memref<16384x64xf32, #tpu.memory_space<hbm>> -> memref<16384x64xf32, #tpu.memory_space<hbm>>
    tpu.enqueue_indirect_dma source(%dma_start3A_192 : memref<16384x64xf32, #tpu.memory_space<hbm>>) target(%dma_start3A_187 : memref<128x64xf32, #tpu.memory_space<vmem>>) offsets(%dma_start3A_189 : memref<128xi32, #tpu.memory_space<vmem>>) semaphore(%arg10 : memref<!tpu.dma_semaphore, #tpu.memory_space<semaphore_mem>>)
    %dma_wait3A_193 = arith.constant 0 : i32
    %dma_wait3A_194 = arith.constant 0 : i32
    %dma_wait3A_195 = tpu.memref_slice %arg8[%dma_wait3A_193, %dma_wait3A_194] : memref<1024x64xf32, #tpu.memory_space<vmem>> -> memref<128x64xf32, #tpu.memory_space<vmem>>
    %dma_wait3A_196 = arith.constant 0 : i32
    %dma_wait3A_197 = tpu.memref_slice %arg7[%dma_wait3A_196] : memref<1024xi32, #tpu.memory_space<vmem>> -> memref<128xi32, #tpu.memory_space<vmem>>
    %dma_wait3A_198 = arith.constant 0 : i32
    %dma_wait3A_199 = arith.constant 0 : i32
    %dma_wait3A_200 = tpu.memref_slice %arg4[%dma_wait3A_198, %dma_wait3A_199] : memref<16384x64xf32, #tpu.memory_space<hbm>> -> memref<16384x64xf32, #tpu.memory_space<hbm>>
    tpu.wait_indirect_dma semaphore(%arg10 : memref<!tpu.dma_semaphore, #tpu.memory_space<semaphore_mem>>) src(%dma_wait3A_200 : memref<16384x64xf32, #tpu.memory_space<hbm>>) dst(%dma_wait3A_195 : memref<128x64xf32, #tpu.memory_space<vmem>>)
    %add3A = arith.constant 0 : i32
    %add3A_201 = arith.addi %mul3A_0, %add3A : i32
    %dma_start3A_202 = arith.constant 0 : i32
    %dma_start3A_203 = arith.constant 0 : i32
    %dma_start3A_204 = tpu.memref_slice %arg8[%dma_start3A_202, %dma_start3A_203] : memref<1024x64xf32, #tpu.memory_space<vmem>> -> memref<128x64xf32, #tpu.memory_space<vmem>>
    %dma_start3A_205 = arith.constant 0 : i32
    %dma_start3A_206 = tpu.memref_slice %arg5[%add3A_201, %dma_start3A_205] : memref<16384x64xf32, #tpu.memory_space<hbm>> -> memref<128x64xf32, #tpu.memory_space<hbm>>
    %dma_start3A_207 = arith.constant 0 : i32
    %dma_start3A_208 = tpu.memref_slice %arg5[%add3A_201, %dma_start3A_207] : memref<16384x64xf32, #tpu.memory_space<hbm>> -> memref<128x64xf32, #tpu.memory_space<hbm>>
    %dma_start3A_209 = arith.constant 0 : i32
    %dma_start3A_210 = arith.constant 0 : i32
    %dma_start3A_211 = tpu.memref_slice %arg8[%dma_start3A_209, %dma_start3A_210] : memref<1024x64xf32, #tpu.memory_space<vmem>> -> memref<128x64xf32, #tpu.memory_space<vmem>>
    tpu.enqueue_dma source(%dma_start3A_211 : memref<128x64xf32, #tpu.memory_space<vmem>>) target(%dma_start3A_208 : memref<128x64xf32, #tpu.memory_space<hbm>>) target_semaphore(%arg9 : memref<!tpu.dma_semaphore, #tpu.memory_space<semaphore_mem>>)
    %dma_wait3A_212 = arith.constant 128 : i32
    %dma_wait3A_213 = arith.constant 0 : i32
    %dma_wait3A_214 = tpu.memref_slice %arg8[%dma_wait3A_212, %dma_wait3A_213] : memref<1024x64xf32, #tpu.memory_space<vmem>> -> memref<128x64xf32, #tpu.memory_space<vmem>>
    %dma_wait3A_215 = arith.constant 128 : i32
    %dma_wait3A_216 = tpu.memref_slice %arg7[%dma_wait3A_215] : memref<1024xi32, #tpu.memory_space<vmem>> -> memref<128xi32, #tpu.memory_space<vmem>>
    %dma_wait3A_217 = arith.constant 0 : i32
    %dma_wait3A_218 = arith.constant 0 : i32
    %dma_wait3A_219 = tpu.memref_slice %arg4[%dma_wait3A_217, %dma_wait3A_218] : memref<16384x64xf32, #tpu.memory_space<hbm>> -> memref<16384x64xf32, #tpu.memory_space<hbm>>
    tpu.wait_indirect_dma semaphore(%arg10 : memref<!tpu.dma_semaphore, #tpu.memory_space<semaphore_mem>>) src(%dma_wait3A_219 : memref<16384x64xf32, #tpu.memory_space<hbm>>) dst(%dma_wait3A_214 : memref<128x64xf32, #tpu.memory_space<vmem>>)
    %add3A_220 = arith.constant 128 : i32
    %add3A_221 = arith.addi %mul3A_0, %add3A_220 : i32
    %dma_start3A_222 = arith.constant 128 : i32
    %dma_start3A_223 = arith.constant 0 : i32
    %dma_start3A_224 = tpu.memref_slice %arg8[%dma_start3A_222, %dma_start3A_223] : memref<1024x64xf32, #tpu.memory_space<vmem>> -> memref<128x64xf32, #tpu.memory_space<vmem>>
    %dma_start3A_225 = arith.constant 0 : i32
    %dma_start3A_226 = tpu.memref_slice %arg5[%add3A_221, %dma_start3A_225] : memref<16384x64xf32, #tpu.memory_space<hbm>> -> memref<128x64xf32, #tpu.memory_space<hbm>>
    %dma_start3A_227 = arith.constant 0 : i32
    %dma_start3A_228 = tpu.memref_slice %arg5[%add3A_221, %dma_start3A_227] : memref<16384x64xf32, #tpu.memory_space<hbm>> -> memref<128x64xf32, #tpu.memory_space<hbm>>
    %dma_start3A_229 = arith.constant 128 : i32
    %dma_start3A_230 = arith.constant 0 : i32
    %dma_start3A_231 = tpu.memref_slice %arg8[%dma_start3A_229, %dma_start3A_230] : memref<1024x64xf32, #tpu.memory_space<vmem>> -> memref<128x64xf32, #tpu.memory_space<vmem>>
    tpu.enqueue_dma source(%dma_start3A_231 : memref<128x64xf32, #tpu.memory_space<vmem>>) target(%dma_start3A_228 : memref<128x64xf32, #tpu.memory_space<hbm>>) target_semaphore(%arg9 : memref<!tpu.dma_semaphore, #tpu.memory_space<semaphore_mem>>)
    %dma_wait3A_232 = arith.constant 256 : i32
    %dma_wait3A_233 = arith.constant 0 : i32
    %dma_wait3A_234 = tpu.memref_slice %arg8[%dma_wait3A_232, %dma_wait3A_233] : memref<1024x64xf32, #tpu.memory_space<vmem>> -> memref<128x64xf32, #tpu.memory_space<vmem>>
    %dma_wait3A_235 = arith.constant 256 : i32
    %dma_wait3A_236 = tpu.memref_slice %arg7[%dma_wait3A_235] : memref<1024xi32, #tpu.memory_space<vmem>> -> memref<128xi32, #tpu.memory_space<vmem>>
    %dma_wait3A_237 = arith.constant 0 : i32
    %dma_wait3A_238 = arith.constant 0 : i32
    %dma_wait3A_239 = tpu.memref_slice %arg4[%dma_wait3A_237, %dma_wait3A_238] : memref<16384x64xf32, #tpu.memory_space<hbm>> -> memref<16384x64xf32, #tpu.memory_space<hbm>>
    tpu.wait_indirect_dma semaphore(%arg10 : memref<!tpu.dma_semaphore, #tpu.memory_space<semaphore_mem>>) src(%dma_wait3A_239 : memref<16384x64xf32, #tpu.memory_space<hbm>>) dst(%dma_wait3A_234 : memref<128x64xf32, #tpu.memory_space<vmem>>)
    %add3A_240 = arith.constant 256 : i32
    %add3A_241 = arith.addi %mul3A_0, %add3A_240 : i32
    %dma_start3A_242 = arith.constant 256 : i32
    %dma_start3A_243 = arith.constant 0 : i32
    %dma_start3A_244 = tpu.memref_slice %arg8[%dma_start3A_242, %dma_start3A_243] : memref<1024x64xf32, #tpu.memory_space<vmem>> -> memref<128x64xf32, #tpu.memory_space<vmem>>
    %dma_start3A_245 = arith.constant 0 : i32
    %dma_start3A_246 = tpu.memref_slice %arg5[%add3A_241, %dma_start3A_245] : memref<16384x64xf32, #tpu.memory_space<hbm>> -> memref<128x64xf32, #tpu.memory_space<hbm>>
    %dma_start3A_247 = arith.constant 0 : i32
    %dma_start3A_248 = tpu.memref_slice %arg5[%add3A_241, %dma_start3A_247] : memref<16384x64xf32, #tpu.memory_space<hbm>> -> memref<128x64xf32, #tpu.memory_space<hbm>>
    %dma_start3A_249 = arith.constant 256 : i32
    %dma_start3A_250 = arith.constant 0 : i32
    %dma_start3A_251 = tpu.memref_slice %arg8[%dma_start3A_249, %dma_start3A_250] : memref<1024x64xf32, #tpu.memory_space<vmem>> -> memref<128x64xf32, #tpu.memory_space<vmem>>
    tpu.enqueue_dma source(%dma_start3A_251 : memref<128x64xf32, #tpu.memory_space<vmem>>) target(%dma_start3A_248 : memref<128x64xf32, #tpu.memory_space<hbm>>) target_semaphore(%arg9 : memref<!tpu.dma_semaphore, #tpu.memory_space<semaphore_mem>>)
    %dma_wait3A_252 = arith.constant 384 : i32
    %dma_wait3A_253 = arith.constant 0 : i32
    %dma_wait3A_254 = tpu.memref_slice %arg8[%dma_wait3A_252, %dma_wait3A_253] : memref<1024x64xf32, #tpu.memory_space<vmem>> -> memref<128x64xf32, #tpu.memory_space<vmem>>
    %dma_wait3A_255 = arith.constant 384 : i32
    %dma_wait3A_256 = tpu.memref_slice %arg7[%dma_wait3A_255] : memref<1024xi32, #tpu.memory_space<vmem>> -> memref<128xi32, #tpu.memory_space<vmem>>
    %dma_wait3A_257 = arith.constant 0 : i32
    %dma_wait3A_258 = arith.constant 0 : i32
    %dma_wait3A_259 = tpu.memref_slice %arg4[%dma_wait3A_257, %dma_wait3A_258] : memref<16384x64xf32, #tpu.memory_space<hbm>> -> memref<16384x64xf32, #tpu.memory_space<hbm>>
    tpu.wait_indirect_dma semaphore(%arg10 : memref<!tpu.dma_semaphore, #tpu.memory_space<semaphore_mem>>) src(%dma_wait3A_259 : memref<16384x64xf32, #tpu.memory_space<hbm>>) dst(%dma_wait3A_254 : memref<128x64xf32, #tpu.memory_space<vmem>>)
    %add3A_260 = arith.constant 384 : i32
    %add3A_261 = arith.addi %mul3A_0, %add3A_260 : i32
    %dma_start3A_262 = arith.constant 384 : i32
    %dma_start3A_263 = arith.constant 0 : i32
    %dma_start3A_264 = tpu.memref_slice %arg8[%dma_start3A_262, %dma_start3A_263] : memref<1024x64xf32, #tpu.memory_space<vmem>> -> memref<128x64xf32, #tpu.memory_space<vmem>>
    %dma_start3A_265 = arith.constant 0 : i32
    %dma_start3A_266 = tpu.memref_slice %arg5[%add3A_261, %dma_start3A_265] : memref<16384x64xf32, #tpu.memory_space<hbm>> -> memref<128x64xf32, #tpu.memory_space<hbm>>
    %dma_start3A_267 = arith.constant 0 : i32
    %dma_start3A_268 = tpu.memref_slice %arg5[%add3A_261, %dma_start3A_267] : memref<16384x64xf32, #tpu.memory_space<hbm>> -> memref<128x64xf32, #tpu.memory_space<hbm>>
    %dma_start3A_269 = arith.constant 384 : i32
    %dma_start3A_270 = arith.constant 0 : i32
    %dma_start3A_271 = tpu.memref_slice %arg8[%dma_start3A_269, %dma_start3A_270] : memref<1024x64xf32, #tpu.memory_space<vmem>> -> memref<128x64xf32, #tpu.memory_space<vmem>>
    tpu.enqueue_dma source(%dma_start3A_271 : memref<128x64xf32, #tpu.memory_space<vmem>>) target(%dma_start3A_268 : memref<128x64xf32, #tpu.memory_space<hbm>>) target_semaphore(%arg9 : memref<!tpu.dma_semaphore, #tpu.memory_space<semaphore_mem>>)
    %dma_wait3A_272 = arith.constant 512 : i32
    %dma_wait3A_273 = arith.constant 0 : i32
    %dma_wait3A_274 = tpu.memref_slice %arg8[%dma_wait3A_272, %dma_wait3A_273] : memref<1024x64xf32, #tpu.memory_space<vmem>> -> memref<128x64xf32, #tpu.memory_space<vmem>>
    %dma_wait3A_275 = arith.constant 512 : i32
    %dma_wait3A_276 = tpu.memref_slice %arg7[%dma_wait3A_275] : memref<1024xi32, #tpu.memory_space<vmem>> -> memref<128xi32, #tpu.memory_space<vmem>>
    %dma_wait3A_277 = arith.constant 0 : i32
    %dma_wait3A_278 = arith.constant 0 : i32
    %dma_wait3A_279 = tpu.memref_slice %arg4[%dma_wait3A_277, %dma_wait3A_278] : memref<16384x64xf32, #tpu.memory_space<hbm>> -> memref<16384x64xf32, #tpu.memory_space<hbm>>
    tpu.wait_indirect_dma semaphore(%arg10 : memref<!tpu.dma_semaphore, #tpu.memory_space<semaphore_mem>>) src(%dma_wait3A_279 : memref<16384x64xf32, #tpu.memory_space<hbm>>) dst(%dma_wait3A_274 : memref<128x64xf32, #tpu.memory_space<vmem>>)
    %add3A_280 = arith.constant 512 : i32
    %add3A_281 = arith.addi %mul3A_0, %add3A_280 : i32
    %dma_start3A_282 = arith.constant 512 : i32
    %dma_start3A_283 = arith.constant 0 : i32
    %dma_start3A_284 = tpu.memref_slice %arg8[%dma_start3A_282, %dma_start3A_283] : memref<1024x64xf32, #tpu.memory_space<vmem>> -> memref<128x64xf32, #tpu.memory_space<vmem>>
    %dma_start3A_285 = arith.constant 0 : i32
    %dma_start3A_286 = tpu.memref_slice %arg5[%add3A_281, %dma_start3A_285] : memref<16384x64xf32, #tpu.memory_space<hbm>> -> memref<128x64xf32, #tpu.memory_space<hbm>>
    %dma_start3A_287 = arith.constant 0 : i32
    %dma_start3A_288 = tpu.memref_slice %arg5[%add3A_281, %dma_start3A_287] : memref<16384x64xf32, #tpu.memory_space<hbm>> -> memref<128x64xf32, #tpu.memory_space<hbm>>
    %dma_start3A_289 = arith.constant 512 : i32
    %dma_start3A_290 = arith.constant 0 : i32
    %dma_start3A_291 = tpu.memref_slice %arg8[%dma_start3A_289, %dma_start3A_290] : memref<1024x64xf32, #tpu.memory_space<vmem>> -> memref<128x64xf32, #tpu.memory_space<vmem>>
    tpu.enqueue_dma source(%dma_start3A_291 : memref<128x64xf32, #tpu.memory_space<vmem>>) target(%dma_start3A_288 : memref<128x64xf32, #tpu.memory_space<hbm>>) target_semaphore(%arg9 : memref<!tpu.dma_semaphore, #tpu.memory_space<semaphore_mem>>)
    %dma_wait3A_292 = arith.constant 640 : i32
    %dma_wait3A_293 = arith.constant 0 : i32
    %dma_wait3A_294 = tpu.memref_slice %arg8[%dma_wait3A_292, %dma_wait3A_293] : memref<1024x64xf32, #tpu.memory_space<vmem>> -> memref<128x64xf32, #tpu.memory_space<vmem>>
    %dma_wait3A_295 = arith.constant 640 : i32
    %dma_wait3A_296 = tpu.memref_slice %arg7[%dma_wait3A_295] : memref<1024xi32, #tpu.memory_space<vmem>> -> memref<128xi32, #tpu.memory_space<vmem>>
    %dma_wait3A_297 = arith.constant 0 : i32
    %dma_wait3A_298 = arith.constant 0 : i32
    %dma_wait3A_299 = tpu.memref_slice %arg4[%dma_wait3A_297, %dma_wait3A_298] : memref<16384x64xf32, #tpu.memory_space<hbm>> -> memref<16384x64xf32, #tpu.memory_space<hbm>>
    tpu.wait_indirect_dma semaphore(%arg10 : memref<!tpu.dma_semaphore, #tpu.memory_space<semaphore_mem>>) src(%dma_wait3A_299 : memref<16384x64xf32, #tpu.memory_space<hbm>>) dst(%dma_wait3A_294 : memref<128x64xf32, #tpu.memory_space<vmem>>)
    %add3A_300 = arith.constant 640 : i32
    %add3A_301 = arith.addi %mul3A_0, %add3A_300 : i32
    %dma_start3A_302 = arith.constant 640 : i32
    %dma_start3A_303 = arith.constant 0 : i32
    %dma_start3A_304 = tpu.memref_slice %arg8[%dma_start3A_302, %dma_start3A_303] : memref<1024x64xf32, #tpu.memory_space<vmem>> -> memref<128x64xf32, #tpu.memory_space<vmem>>
    %dma_start3A_305 = arith.constant 0 : i32
    %dma_start3A_306 = tpu.memref_slice %arg5[%add3A_301, %dma_start3A_305] : memref<16384x64xf32, #tpu.memory_space<hbm>> -> memref<128x64xf32, #tpu.memory_space<hbm>>
    %dma_start3A_307 = arith.constant 0 : i32
    %dma_start3A_308 = tpu.memref_slice %arg5[%add3A_301, %dma_start3A_307] : memref<16384x64xf32, #tpu.memory_space<hbm>> -> memref<128x64xf32, #tpu.memory_space<hbm>>
    %dma_start3A_309 = arith.constant 640 : i32
    %dma_start3A_310 = arith.constant 0 : i32
    %dma_start3A_311 = tpu.memref_slice %arg8[%dma_start3A_309, %dma_start3A_310] : memref<1024x64xf32, #tpu.memory_space<vmem>> -> memref<128x64xf32, #tpu.memory_space<vmem>>
    tpu.enqueue_dma source(%dma_start3A_311 : memref<128x64xf32, #tpu.memory_space<vmem>>) target(%dma_start3A_308 : memref<128x64xf32, #tpu.memory_space<hbm>>) target_semaphore(%arg9 : memref<!tpu.dma_semaphore, #tpu.memory_space<semaphore_mem>>)
    %dma_wait3A_312 = arith.constant 768 : i32
    %dma_wait3A_313 = arith.constant 0 : i32
    %dma_wait3A_314 = tpu.memref_slice %arg8[%dma_wait3A_312, %dma_wait3A_313] : memref<1024x64xf32, #tpu.memory_space<vmem>> -> memref<128x64xf32, #tpu.memory_space<vmem>>
    %dma_wait3A_315 = arith.constant 768 : i32
    %dma_wait3A_316 = tpu.memref_slice %arg7[%dma_wait3A_315] : memref<1024xi32, #tpu.memory_space<vmem>> -> memref<128xi32, #tpu.memory_space<vmem>>
    %dma_wait3A_317 = arith.constant 0 : i32
    %dma_wait3A_318 = arith.constant 0 : i32
    %dma_wait3A_319 = tpu.memref_slice %arg4[%dma_wait3A_317, %dma_wait3A_318] : memref<16384x64xf32, #tpu.memory_space<hbm>> -> memref<16384x64xf32, #tpu.memory_space<hbm>>
    tpu.wait_indirect_dma semaphore(%arg10 : memref<!tpu.dma_semaphore, #tpu.memory_space<semaphore_mem>>) src(%dma_wait3A_319 : memref<16384x64xf32, #tpu.memory_space<hbm>>) dst(%dma_wait3A_314 : memref<128x64xf32, #tpu.memory_space<vmem>>)
    %add3A_320 = arith.constant 768 : i32
    %add3A_321 = arith.addi %mul3A_0, %add3A_320 : i32
    %dma_start3A_322 = arith.constant 768 : i32
    %dma_start3A_323 = arith.constant 0 : i32
    %dma_start3A_324 = tpu.memref_slice %arg8[%dma_start3A_322, %dma_start3A_323] : memref<1024x64xf32, #tpu.memory_space<vmem>> -> memref<128x64xf32, #tpu.memory_space<vmem>>
    %dma_start3A_325 = arith.constant 0 : i32
    %dma_start3A_326 = tpu.memref_slice %arg5[%add3A_321, %dma_start3A_325] : memref<16384x64xf32, #tpu.memory_space<hbm>> -> memref<128x64xf32, #tpu.memory_space<hbm>>
    %dma_start3A_327 = arith.constant 0 : i32
    %dma_start3A_328 = tpu.memref_slice %arg5[%add3A_321, %dma_start3A_327] : memref<16384x64xf32, #tpu.memory_space<hbm>> -> memref<128x64xf32, #tpu.memory_space<hbm>>
    %dma_start3A_329 = arith.constant 768 : i32
    %dma_start3A_330 = arith.constant 0 : i32
    %dma_start3A_331 = tpu.memref_slice %arg8[%dma_start3A_329, %dma_start3A_330] : memref<1024x64xf32, #tpu.memory_space<vmem>> -> memref<128x64xf32, #tpu.memory_space<vmem>>
    tpu.enqueue_dma source(%dma_start3A_331 : memref<128x64xf32, #tpu.memory_space<vmem>>) target(%dma_start3A_328 : memref<128x64xf32, #tpu.memory_space<hbm>>) target_semaphore(%arg9 : memref<!tpu.dma_semaphore, #tpu.memory_space<semaphore_mem>>)
    %dma_wait3A_332 = arith.constant 896 : i32
    %dma_wait3A_333 = arith.constant 0 : i32
    %dma_wait3A_334 = tpu.memref_slice %arg8[%dma_wait3A_332, %dma_wait3A_333] : memref<1024x64xf32, #tpu.memory_space<vmem>> -> memref<128x64xf32, #tpu.memory_space<vmem>>
    %dma_wait3A_335 = arith.constant 896 : i32
    %dma_wait3A_336 = tpu.memref_slice %arg7[%dma_wait3A_335] : memref<1024xi32, #tpu.memory_space<vmem>> -> memref<128xi32, #tpu.memory_space<vmem>>
    %dma_wait3A_337 = arith.constant 0 : i32
    %dma_wait3A_338 = arith.constant 0 : i32
    %dma_wait3A_339 = tpu.memref_slice %arg4[%dma_wait3A_337, %dma_wait3A_338] : memref<16384x64xf32, #tpu.memory_space<hbm>> -> memref<16384x64xf32, #tpu.memory_space<hbm>>
    tpu.wait_indirect_dma semaphore(%arg10 : memref<!tpu.dma_semaphore, #tpu.memory_space<semaphore_mem>>) src(%dma_wait3A_339 : memref<16384x64xf32, #tpu.memory_space<hbm>>) dst(%dma_wait3A_334 : memref<128x64xf32, #tpu.memory_space<vmem>>)
    %add3A_340 = arith.constant 896 : i32
    %add3A_341 = arith.addi %mul3A_0, %add3A_340 : i32
    %dma_start3A_342 = arith.constant 896 : i32
    %dma_start3A_343 = arith.constant 0 : i32
    %dma_start3A_344 = tpu.memref_slice %arg8[%dma_start3A_342, %dma_start3A_343] : memref<1024x64xf32, #tpu.memory_space<vmem>> -> memref<128x64xf32, #tpu.memory_space<vmem>>
    %dma_start3A_345 = arith.constant 0 : i32
    %dma_start3A_346 = tpu.memref_slice %arg5[%add3A_341, %dma_start3A_345] : memref<16384x64xf32, #tpu.memory_space<hbm>> -> memref<128x64xf32, #tpu.memory_space<hbm>>
    %dma_start3A_347 = arith.constant 0 : i32
    %dma_start3A_348 = tpu.memref_slice %arg5[%add3A_341, %dma_start3A_347] : memref<16384x64xf32, #tpu.memory_space<hbm>> -> memref<128x64xf32, #tpu.memory_space<hbm>>
    %dma_start3A_349 = arith.constant 896 : i32
    %dma_start3A_350 = arith.constant 0 : i32
    %dma_start3A_351 = tpu.memref_slice %arg8[%dma_start3A_349, %dma_start3A_350] : memref<1024x64xf32, #tpu.memory_space<vmem>> -> memref<128x64xf32, #tpu.memory_space<vmem>>
    tpu.enqueue_dma source(%dma_start3A_351 : memref<128x64xf32, #tpu.memory_space<vmem>>) target(%dma_start3A_348 : memref<128x64xf32, #tpu.memory_space<hbm>>) target_semaphore(%arg9 : memref<!tpu.dma_semaphore, #tpu.memory_space<semaphore_mem>>)
    %dma_wait3A_352 = arith.constant 0 : i32
    %dma_wait3A_353 = arith.constant 0 : i32
    %dma_wait3A_354 = tpu.memref_slice %arg8[%dma_wait3A_352, %dma_wait3A_353] : memref<1024x64xf32, #tpu.memory_space<vmem>> -> memref<128x64xf32, #tpu.memory_space<vmem>>
    %dma_wait3A_355 = arith.constant 0 : i32
    %dma_wait3A_356 = tpu.memref_slice %arg5[%add3A_201, %dma_wait3A_355] : memref<16384x64xf32, #tpu.memory_space<hbm>> -> memref<128x64xf32, #tpu.memory_space<hbm>>
    %dma_wait3A_357 = arith.constant 0 : i32
    %dma_wait3A_358 = tpu.memref_slice %arg5[%add3A_201, %dma_wait3A_357] : memref<16384x64xf32, #tpu.memory_space<hbm>> -> memref<128x64xf32, #tpu.memory_space<hbm>>
    %dma_wait3A_359 = arith.constant 0 : i32
    %dma_wait3A_360 = arith.constant 0 : i32
    %dma_wait3A_361 = tpu.memref_slice %arg8[%dma_wait3A_359, %dma_wait3A_360] : memref<1024x64xf32, #tpu.memory_space<vmem>> -> memref<128x64xf32, #tpu.memory_space<vmem>>
    tpu.wait_dma2 semaphore(%arg9 : memref<!tpu.dma_semaphore, #tpu.memory_space<semaphore_mem>>) src(%dma_wait3A_361 : memref<128x64xf32, #tpu.memory_space<vmem>>) dst(%dma_wait3A_358 : memref<128x64xf32, #tpu.memory_space<hbm>>)
    %dma_wait3A_362 = arith.constant 128 : i32
    %dma_wait3A_363 = arith.constant 0 : i32
    %dma_wait3A_364 = tpu.memref_slice %arg8[%dma_wait3A_362, %dma_wait3A_363] : memref<1024x64xf32, #tpu.memory_space<vmem>> -> memref<128x64xf32, #tpu.memory_space<vmem>>
    %dma_wait3A_365 = arith.constant 0 : i32
    %dma_wait3A_366 = tpu.memref_slice %arg5[%add3A_221, %dma_wait3A_365] : memref<16384x64xf32, #tpu.memory_space<hbm>> -> memref<128x64xf32, #tpu.memory_space<hbm>>
    %dma_wait3A_367 = arith.constant 0 : i32
    %dma_wait3A_368 = tpu.memref_slice %arg5[%add3A_221, %dma_wait3A_367] : memref<16384x64xf32, #tpu.memory_space<hbm>> -> memref<128x64xf32, #tpu.memory_space<hbm>>
    %dma_wait3A_369 = arith.constant 128 : i32
    %dma_wait3A_370 = arith.constant 0 : i32
    %dma_wait3A_371 = tpu.memref_slice %arg8[%dma_wait3A_369, %dma_wait3A_370] : memref<1024x64xf32, #tpu.memory_space<vmem>> -> memref<128x64xf32, #tpu.memory_space<vmem>>
    tpu.wait_dma2 semaphore(%arg9 : memref<!tpu.dma_semaphore, #tpu.memory_space<semaphore_mem>>) src(%dma_wait3A_371 : memref<128x64xf32, #tpu.memory_space<vmem>>) dst(%dma_wait3A_368 : memref<128x64xf32, #tpu.memory_space<hbm>>)
    %dma_wait3A_372 = arith.constant 256 : i32
    %dma_wait3A_373 = arith.constant 0 : i32
    %dma_wait3A_374 = tpu.memref_slice %arg8[%dma_wait3A_372, %dma_wait3A_373] : memref<1024x64xf32, #tpu.memory_space<vmem>> -> memref<128x64xf32, #tpu.memory_space<vmem>>
    %dma_wait3A_375 = arith.constant 0 : i32
    %dma_wait3A_376 = tpu.memref_slice %arg5[%add3A_241, %dma_wait3A_375] : memref<16384x64xf32, #tpu.memory_space<hbm>> -> memref<128x64xf32, #tpu.memory_space<hbm>>
    %dma_wait3A_377 = arith.constant 0 : i32
    %dma_wait3A_378 = tpu.memref_slice %arg5[%add3A_241, %dma_wait3A_377] : memref<16384x64xf32, #tpu.memory_space<hbm>> -> memref<128x64xf32, #tpu.memory_space<hbm>>
    %dma_wait3A_379 = arith.constant 256 : i32
    %dma_wait3A_380 = arith.constant 0 : i32
    %dma_wait3A_381 = tpu.memref_slice %arg8[%dma_wait3A_379, %dma_wait3A_380] : memref<1024x64xf32, #tpu.memory_space<vmem>> -> memref<128x64xf32, #tpu.memory_space<vmem>>
    tpu.wait_dma2 semaphore(%arg9 : memref<!tpu.dma_semaphore, #tpu.memory_space<semaphore_mem>>) src(%dma_wait3A_381 : memref<128x64xf32, #tpu.memory_space<vmem>>) dst(%dma_wait3A_378 : memref<128x64xf32, #tpu.memory_space<hbm>>)
    %dma_wait3A_382 = arith.constant 384 : i32
    %dma_wait3A_383 = arith.constant 0 : i32
    %dma_wait3A_384 = tpu.memref_slice %arg8[%dma_wait3A_382, %dma_wait3A_383] : memref<1024x64xf32, #tpu.memory_space<vmem>> -> memref<128x64xf32, #tpu.memory_space<vmem>>
    %dma_wait3A_385 = arith.constant 0 : i32
    %dma_wait3A_386 = tpu.memref_slice %arg5[%add3A_261, %dma_wait3A_385] : memref<16384x64xf32, #tpu.memory_space<hbm>> -> memref<128x64xf32, #tpu.memory_space<hbm>>
    %dma_wait3A_387 = arith.constant 0 : i32
    %dma_wait3A_388 = tpu.memref_slice %arg5[%add3A_261, %dma_wait3A_387] : memref<16384x64xf32, #tpu.memory_space<hbm>> -> memref<128x64xf32, #tpu.memory_space<hbm>>
    %dma_wait3A_389 = arith.constant 384 : i32
    %dma_wait3A_390 = arith.constant 0 : i32
    %dma_wait3A_391 = tpu.memref_slice %arg8[%dma_wait3A_389, %dma_wait3A_390] : memref<1024x64xf32, #tpu.memory_space<vmem>> -> memref<128x64xf32, #tpu.memory_space<vmem>>
    tpu.wait_dma2 semaphore(%arg9 : memref<!tpu.dma_semaphore, #tpu.memory_space<semaphore_mem>>) src(%dma_wait3A_391 : memref<128x64xf32, #tpu.memory_space<vmem>>) dst(%dma_wait3A_388 : memref<128x64xf32, #tpu.memory_space<hbm>>)
    %dma_wait3A_392 = arith.constant 512 : i32
    %dma_wait3A_393 = arith.constant 0 : i32
    %dma_wait3A_394 = tpu.memref_slice %arg8[%dma_wait3A_392, %dma_wait3A_393] : memref<1024x64xf32, #tpu.memory_space<vmem>> -> memref<128x64xf32, #tpu.memory_space<vmem>>
    %dma_wait3A_395 = arith.constant 0 : i32
    %dma_wait3A_396 = tpu.memref_slice %arg5[%add3A_281, %dma_wait3A_395] : memref<16384x64xf32, #tpu.memory_space<hbm>> -> memref<128x64xf32, #tpu.memory_space<hbm>>
    %dma_wait3A_397 = arith.constant 0 : i32
    %dma_wait3A_398 = tpu.memref_slice %arg5[%add3A_281, %dma_wait3A_397] : memref<16384x64xf32, #tpu.memory_space<hbm>> -> memref<128x64xf32, #tpu.memory_space<hbm>>
    %dma_wait3A_399 = arith.constant 512 : i32
    %dma_wait3A_400 = arith.constant 0 : i32
    %dma_wait3A_401 = tpu.memref_slice %arg8[%dma_wait3A_399, %dma_wait3A_400] : memref<1024x64xf32, #tpu.memory_space<vmem>> -> memref<128x64xf32, #tpu.memory_space<vmem>>
    tpu.wait_dma2 semaphore(%arg9 : memref<!tpu.dma_semaphore, #tpu.memory_space<semaphore_mem>>) src(%dma_wait3A_401 : memref<128x64xf32, #tpu.memory_space<vmem>>) dst(%dma_wait3A_398 : memref<128x64xf32, #tpu.memory_space<hbm>>)
    %dma_wait3A_402 = arith.constant 640 : i32
    %dma_wait3A_403 = arith.constant 0 : i32
    %dma_wait3A_404 = tpu.memref_slice %arg8[%dma_wait3A_402, %dma_wait3A_403] : memref<1024x64xf32, #tpu.memory_space<vmem>> -> memref<128x64xf32, #tpu.memory_space<vmem>>
    %dma_wait3A_405 = arith.constant 0 : i32
    %dma_wait3A_406 = tpu.memref_slice %arg5[%add3A_301, %dma_wait3A_405] : memref<16384x64xf32, #tpu.memory_space<hbm>> -> memref<128x64xf32, #tpu.memory_space<hbm>>
    %dma_wait3A_407 = arith.constant 0 : i32
    %dma_wait3A_408 = tpu.memref_slice %arg5[%add3A_301, %dma_wait3A_407] : memref<16384x64xf32, #tpu.memory_space<hbm>> -> memref<128x64xf32, #tpu.memory_space<hbm>>
    %dma_wait3A_409 = arith.constant 640 : i32
    %dma_wait3A_410 = arith.constant 0 : i32
    %dma_wait3A_411 = tpu.memref_slice %arg8[%dma_wait3A_409, %dma_wait3A_410] : memref<1024x64xf32, #tpu.memory_space<vmem>> -> memref<128x64xf32, #tpu.memory_space<vmem>>
    tpu.wait_dma2 semaphore(%arg9 : memref<!tpu.dma_semaphore, #tpu.memory_space<semaphore_mem>>) src(%dma_wait3A_411 : memref<128x64xf32, #tpu.memory_space<vmem>>) dst(%dma_wait3A_408 : memref<128x64xf32, #tpu.memory_space<hbm>>)
    %dma_wait3A_412 = arith.constant 768 : i32
    %dma_wait3A_413 = arith.constant 0 : i32
    %dma_wait3A_414 = tpu.memref_slice %arg8[%dma_wait3A_412, %dma_wait3A_413] : memref<1024x64xf32, #tpu.memory_space<vmem>> -> memref<128x64xf32, #tpu.memory_space<vmem>>
    %dma_wait3A_415 = arith.constant 0 : i32
    %dma_wait3A_416 = tpu.memref_slice %arg5[%add3A_321, %dma_wait3A_415] : memref<16384x64xf32, #tpu.memory_space<hbm>> -> memref<128x64xf32, #tpu.memory_space<hbm>>
    %dma_wait3A_417 = arith.constant 0 : i32
    %dma_wait3A_418 = tpu.memref_slice %arg5[%add3A_321, %dma_wait3A_417] : memref<16384x64xf32, #tpu.memory_space<hbm>> -> memref<128x64xf32, #tpu.memory_space<hbm>>
    %dma_wait3A_419 = arith.constant 768 : i32
    %dma_wait3A_420 = arith.constant 0 : i32
    %dma_wait3A_421 = tpu.memref_slice %arg8[%dma_wait3A_419, %dma_wait3A_420] : memref<1024x64xf32, #tpu.memory_space<vmem>> -> memref<128x64xf32, #tpu.memory_space<vmem>>
    tpu.wait_dma2 semaphore(%arg9 : memref<!tpu.dma_semaphore, #tpu.memory_space<semaphore_mem>>) src(%dma_wait3A_421 : memref<128x64xf32, #tpu.memory_space<vmem>>) dst(%dma_wait3A_418 : memref<128x64xf32, #tpu.memory_space<hbm>>)
    %dma_wait3A_422 = arith.constant 896 : i32
    %dma_wait3A_423 = arith.constant 0 : i32
    %dma_wait3A_424 = tpu.memref_slice %arg8[%dma_wait3A_422, %dma_wait3A_423] : memref<1024x64xf32, #tpu.memory_space<vmem>> -> memref<128x64xf32, #tpu.memory_space<vmem>>
    %dma_wait3A_425 = arith.constant 0 : i32
    %dma_wait3A_426 = tpu.memref_slice %arg5[%add3A_341, %dma_wait3A_425] : memref<16384x64xf32, #tpu.memory_space<hbm>> -> memref<128x64xf32, #tpu.memory_space<hbm>>
    %dma_wait3A_427 = arith.constant 0 : i32
    %dma_wait3A_428 = tpu.memref_slice %arg5[%add3A_341, %dma_wait3A_427] : memref<16384x64xf32, #tpu.memory_space<hbm>> -> memref<128x64xf32, #tpu.memory_space<hbm>>
    %dma_wait3A_429 = arith.constant 896 : i32
    %dma_wait3A_430 = arith.constant 0 : i32
    %dma_wait3A_431 = tpu.memref_slice %arg8[%dma_wait3A_429, %dma_wait3A_430] : memref<1024x64xf32, #tpu.memory_space<vmem>> -> memref<128x64xf32, #tpu.memory_space<vmem>>
    tpu.wait_dma2 semaphore(%arg9 : memref<!tpu.dma_semaphore, #tpu.memory_space<semaphore_mem>>) src(%dma_wait3A_431 : memref<128x64xf32, #tpu.memory_space<vmem>>) dst(%dma_wait3A_428 : memref<128x64xf32, #tpu.memory_space<hbm>>)
    return
  }
}

</mosaic_0001>

<sc_bundles>
// kernel: kernel.4.cloned.1.call-start
scs
__scs_entry_jumppad:
0x0: {  	(pc) =	sbr.rel $0x88, $3  }
0x1: {  	(tag) =	ssettag $0x0;
	lr =	simm.s32 $0x1  }
0x2: {  	[smem:$0x3F9F] =	sst lr;
	_ =	strace $0xD0000000  }
0x3: {  	_ = 	snop  }
0x4: {  	_ = 	snop  }
0x5: {  	_ = 	snop  }
0x6: {  	_ = 	snop  }
0x7: {  	_ = 	snop  }
__scs_overlays_trampoline_lowered:
0x8: {  	[smem:$0x3FAE] =	sst s0  }
0x9: {  	[smem:$0x3FAF] =	sst s1  }
0xa: {  	[smem:$0x3FB0] =	sst s2  }
0xb: {  	[smem:$0x3FB1] =	sst s3  }
0xc: {  	[smem:$0x3FB2] =	sst s4  }
0xd: {  	[smem:$0x3FB3] =	sst s5  }
0xe: {  	[smem:$0x3FB4] =	sst s6  }
0xf: {  	[smem:$0x3FB5] =	sst s7  }
0x10: {  	[smem:$0x3FB6] =	sst s8  }
0x11: {  	[smem:$0x3FB7] =	sst s9;
	s0 =	simm.s32 @!p0 $0x0  }
0x12: {  	s1 =	sld [smem:$0x3F9D];
	s0 =	simm.s32 @p0 $0x1  }
0x13: {  	[smem:$0x3FB8] =	sst s0;
	s0 =	simm.s32 @!p1 $0x0  }
0x14: {  	s2 =	sld [smem:$0x3F9C];
	s0 =	simm.s32 @p1 $0x1  }
0x15: {  	[smem:$0x3FB9] =	sst s0;
	s0 =	simm.s32 @!p2 $0x0  }
0x16: {  	s3 =	sld [smem:$0x3FDB];
	s0 =	simm.s32 @p2 $0x1  }
0x17: {  	s4 =	simm.s32 $0x1BF5;
	[smem:$0x3FBB] =	sst s0  }
0x18: {  	s0 =	sld [smem:$0x3F9E];
	_ =	swait.ge [sflag:s4], $0x0  }
0x19: {  	s7 =	sld [smem:$0x3F9F]  }
0x1a: {  	s8 =	sadd.s32 $0xFFFFE003, lr  }
0x1b: {  	s9 =	sadd.s32 $0xFFFFFEF7, lr;
	s5 =	simm.s32 $0xFFFFFFFF;
	p2 =	slt.u32 s8, $0xFFFFF086  }
0x1c: {  	p1 =	slt.u32 s9, $0xF7A;
	s5 =	simm.s32 @!p2 $0x0  }
0x1d: {  	s5 =	simm.s32 @p1 $0x1;
	p0 =	seq.s32 s7, s2  }
0x1e: {  	s7 =	smul.u32 @!p0 $0xF7A, s2;
	p2 =	seq.s32 @!p0 s5, $0x0  }
0x1f: {  	s9 =	smul.u32 $0xF7A, s1;
	s8 =	simm.s32 @!p0 $0x1BF5;
	p2 =	por !p2, p0  }
0x20: {  	[sflag:s8] =	ssyncset.s32 @!p0 $0xFFFFF086;
	s6 =	sadd.s32 @!p0 s3, s7;
	s7 =	simm.s32 @!p0 $0x108  }
0x21: {  	s3 =	sadd.s32 s3, s9;
	s6 =	sadd.s32 @!p0 $0x88, s6;
	s7 =	simm.s32 @p2 $0x1082  }
0x22: {  	[simem:s7], [sflag:s8] =	dma.local @!p0 [hbm:s6], $0xF7A  }
0x23: {  	s9 =	sor.u32 $0xD0000000, s2;
	s6 =	simm.s32 $0x108;
	_ =	swait.ge @!p0 [sflag:s8], $0x0  }
0x24: {  	s3 =	sadd.s32 $0x88, s3;
	s6 =	simm.s32 @!p1 $0x1082;
	[sflag:s4] =	ssyncset.s32 $0xFFFFF086  }
0x25: {  	[simem:s6], [sflag:s4] =	dma.local [hbm:s3], $0xF7A  }
0x26: {  	[smem:$0x3F9F] =	sst s1;
	(tag) =	ssettag s2;
	_ =	strace s9  }
0x27: {  	s1 =	sld [smem:$0x3FAF]  }
0x28: {  	s2 =	sld [smem:$0x3FB0]  }
0x29: {  	s4 =	sld [smem:$0x3FB2]  }
0x2a: {  	p0 =	seq.s32 s5, $0x0;
	s5 =	sld [smem:$0x3FB3]  }
0x2b: {  	s6 =	sld [smem:$0x3FB4]  }
0x2c: {  	s7 =	sld [smem:$0x3FB5]  }
0x2d: {  	s3 =	simm.s32 $0x108;
	s8 =	sld [smem:$0x3FB6]  }
0x2e: {  	s3 =	simm.s32 @!p0 $0x1082;
	s9 =	sld [smem:$0x3FB7]  }
0x2f: {  	lr =	sadd.s32 s0, s3;
	s0 =	sld [smem:$0x3FAE]  }
0x30: {  	s3 =	sld [smem:$0x3FB1]  }
0x31: {  	[smem:$0x3FBA] =	sst s10  }
0x32: {  	s10 =	sld [smem:$0x3FB8];
	_ =	sdelay $0x3  }
0x33: {  	p0 =	seq.s32 s10, $0x1;
	s10 =	sld [smem:$0x3FBA];
	_ =	sdelay $0x3  }
0x34: {  	[smem:$0x3FBA] =	sst s10  }
0x35: {  	s10 =	sld [smem:$0x3FB9];
	_ =	sdelay $0x3  }
0x36: {  	p1 =	seq.s32 s10, $0x1;
	s10 =	sld [smem:$0x3FBA];
	_ =	sdelay $0x3  }
0x37: {  	[smem:$0x3FBA] =	sst s10  }
0x38: {  	s10 =	sld [smem:$0x3FBB]  }
0x39: {  	_ = 	snop;
	(pc) =	sbr.ind lr, $3  }
0x3a: {  	_ = 	snop  }
0x3b: {  	_ = 	snop  }
0x3c: {  	p2 =	seq.s32 s10, $0x1;
	s10 =	sld [smem:$0x3FBA]  }
0x3d: {  	_ =	shalt  }
0x3e: {  	_ =	shalt  }
0x3f: {  	_ =	shalt  }
0x40: {  	_ =	shalt  }
0x41: {  	_ =	shalt  }
0x42: {  	_ =	shalt  }
0x43: {  	_ =	shalt  }
0x44: {  	_ =	shalt  }
0x45: {  	_ =	shalt  }
0x46: {  	_ =	shalt  }
0x47: {  	_ =	shalt  }
0x48: {  	_ =	shalt  }
0x49: {  	_ =	shalt  }
0x4a: {  	_ =	shalt  }
0x4b: {  	_ =	shalt  }
0x4c: {  	_ =	shalt  }
0x4d: {  	_ =	shalt  }
0x4e: {  	_ =	shalt  }
0x4f: {  	_ =	shalt  }
0x50: {  	_ =	shalt  }
0x51: {  	_ =	shalt  }
0x52: {  	_ =	shalt  }
0x53: {  	_ =	shalt  }
0x54: {  	_ =	shalt  }
0x55: {  	_ =	shalt  }
0x56: {  	_ =	shalt  }
0x57: {  	_ =	shalt  }
0x58: {  	_ =	shalt  }
0x59: {  	_ =	shalt  }
0x5a: {  	_ =	shalt  }
0x5b: {  	_ =	shalt  }
0x5c: {  	_ =	shalt  }
0x5d: {  	_ =	shalt  }
0x5e: {  	_ =	shalt  }
0x5f: {  	_ =	shalt  }
0x60: {  	_ =	shalt  }
0x61: {  	_ =	shalt  }
0x62: {  	_ =	shalt  }
0x63: {  	_ =	shalt  }
0x64: {  	_ =	shalt  }
0x65: {  	_ =	shalt  }
0x66: {  	_ =	shalt  }
0x67: {  	_ =	shalt  }
0x68: {  	_ =	shalt  }
0x69: {  	_ =	shalt  }
0x6a: {  	_ =	shalt  }
0x6b: {  	_ =	shalt  }
0x6c: {  	_ =	shalt  }
0x6d: {  	_ =	shalt  }
0x6e: {  	_ =	shalt  }
0x6f: {  	_ =	shalt  }
0x70: {  	_ =	shalt  }
0x71: {  	_ =	shalt  }
0x72: {  	_ =	shalt  }
0x73: {  	_ =	shalt  }
0x74: {  	_ =	shalt  }
0x75: {  	_ =	shalt  }
0x76: {  	_ =	shalt  }
0x77: {  	_ =	shalt  }
0x78: {  	_ =	shalt  }
0x79: {  	_ =	shalt  }
0x7a: {  	_ =	shalt  }
0x7b: {  	_ =	shalt  }
0x7c: {  	_ =	shalt  }
0x7d: {  	_ =	shalt  }
0x7e: {  	_ =	shalt  }
0x7f: {  	_ =	shalt  }
0x80: {  	_ =	shalt  }
0x81: {  	_ =	shalt  }
0x82: {  	_ =	shalt  }
0x83: {  	_ =	shalt  }
0x84: {  	_ =	shalt  }
0x85: {  	_ =	shalt  }
0x86: {  	_ =	shalt  }
0x87: {  	_ =	shalt  }
.Lfunc_end0:
.L_simem_size_0:
called_computation_lowered:
.L_overlay_start_0:
0x88: {  	s0 =	sld [smem:$0x3FD9]  }
0x89: {  	s1 =	sld [smem:$0x3FFE];
	_ =	sdelay $0x3  }
0x8a: {  	s0 =	sadd.s32 s1, s0  }
0x8b: {  	[smem:$0x3FC6] =	sst s0  }
0x8c: {  	_ = 	snop  }
0x8d: {  	s0 =	sld [smem:$0x3FC8];
	(tm) =	ssettm $0x1  }
0x8e: {  	s16 =	sld [smem:$0x3FFB];
	_ =	sdelay $0x3  }
0x8f: {  	_ =	strace s16  }
0x90: {  	s1 =	sld [smem:$0x3FFC];
	_ =	sdelay $0x3  }
0x91: {  	_ =	strace s1  }
0x92: {  	s1 =	sld [smem:$0x3FFD];
	_ =	sdelay $0x3  }
0x93: {  	_ =	strace s1  }
0x94: {  	_ =	strace $0x8FFFFFFF  }
0x95: {  	s17 =	sld [smem:$0x3FDB];
	_ =	sdelay $0x1  }
0x96: {  	s2 =	simm.s32 $_scs_section_size  }
0x97: {  	s3 =	simm.s32 $_size__tile_overlayer_lowered;
	s4 =	simm.s32 $_tile_overlayer_lowered  }
0x98: {  	s20 =	simm.s32 $0x1BFF;
	s19 =	sshll.u32 s4, $0x1;
	s1 =	sadd.s32 s2, s17  }
0x99: {  	s5 =	simm.s32 $0x0;
	s18 =	sshll.u32 s3, $0x1;
	s3 =	sadd.s32 s19, s1  }
0x9a: {  	[timem:s5], [sflag:s20] =	dma.local [hbm:s3], s18  }
0x9b: {  	_ =	swait.ge [sflag:s20], s18  }
0x9c: {  	s2 =	ssub.s32 $0x0, s18;
	[sflag:s20] =	ssyncset.done $0x0  }
0x9d: {  	[sflag:s20] =	ssyncadd.s32 s2;
	_ =	sdelay $0x1  }
0x9e: {  	s21 =	simm.s32 $0x1B8B  }
0x9f: {  	_ =	swait.ge [sflag:s21], $0x1  }
0xa0: {  	[sflag:s21] =	ssyncset.done $0x0  }
0xa1: {  	s23 =	simm.s32 $0x1B8E;
	s22 =	sld [smem:$0x3FFE];
	[sflag:s21] =	ssyncadd.s32 $0xFFFFFFFF  }
0xa2: {  	s24 =	simm.s32 $execute0_lowered;
	[smem:$0x3FD2] =	sst s23  }
0xa3: {  	s3 =	sshll.u32 s24, $0x1;
	_ =	strace $0x80000046;
	[dreg:$0x1] =	wrdreg $0xFFFFFFFF  }
0xa4: {  	s25 =	simm.s32 $_size_execute0_lowered;
	s1 =	sadd.s32 s1, s3;
	[dreg:$0x0] =	wrdreg $0x0  }
0xa5: {  	s3 =	sshll.u32 s25, $0x1;
	[dreg:$0x2] =	wrdreg s1  }
0xa6: {  	[dreg:$0x3] =	wrdreg s3  }
0xa7: {  	[dreg:$0x4] =	wrdreg $0xC0  }
0xa8: {  	_ =	task [dreg:s5], $0x5FFFF  }
0xa9: {  	[dreg:$0x1] =	wrdreg $0xFFFFFFFF  }
0xaa: {  	[dreg:$0x0] =	wrdreg $0x60  }
0xab: {  	[dreg:$0x2] =	wrdreg s0  }
0xac: {  	[dreg:$0x3] =	wrdreg s22  }
0xad: {  	[dreg:$0x4] =	wrdreg $0x9  }
0xae: {  	_ =	task.clear_ibuf [dreg:s5], $0x5FFFF;
	_ =	strace $0x90000046  }
0xaf: {  	s26 =	simm.s32 $0x9;
	_ =	strace $0x80000048  }
0xb0: {  	_ =	swait.ge [sflag:s26], $0x1  }
0xb1: {  	[sflag:s26] =	ssyncadd.s32 $0xFFFFFFFF  }
0xb2: {  	_ =	strace $0x90000048  }
0xb3: {  	_ =	sfence  }
0xb4: {  	s28 =	sld [smem:$0x0];
	_ =	sdelay $0x1  }
0xb5: {  	s29 =	srdreg.scid  }
0xb6: {  	s30 =	sshll.u32 s29, $0xD;
	s31 =	sshrl.u32 s29, $0x2  }
0xb7: {  	s2 =	sand.u32 $0x4000, s30;
	s1 =	sand.u32 $0x1, s29;
	s0 =	sadd.s32 s31, s28  }
0xb8: {  	s1 =	sor.u32 s2, s1;
	s0 =	sshll.u32 s0, $0x11  }
0xb9: {  	s0 =	sor.u32 s0, s1  }
0xba: {  	s0 =	sadd.s32 $0x8F2B, s0  }
0xbb: {  	[sflag:s0] =	ssyncadd.remote.s32 $0x1  }
0xbc: {  	_ =	sfence.sel $0xFFFF  }
0xbd: {  	[dreg:$0x0] =	wrdreg $0xFFFFFFFF;
	(pc) =	sbr.abs _section_cstart, $3  }
0xbe: {  	[dreg:$0x1] =	wrdreg $0xFFFFFFFF  }
0xbf: {  	_ =	task.clear_ibuf [dreg:s5], $0x2FFFF;
	_ =	strace $0x9FFFFFFF  }
0xc0: {  	(tm) =	ssettm $0x7FFFFFFF  }
0xc1: {  	_ =	shalt  }
tec
execute0_lowered:
.L_overlay_start_1:
0x0: {  	(tag) =	ssettag $0x1  }
0x1: {  	s1 =	rddreg [dreg:$0x0]  }
0x2: {  	s3 =	rddreg [dreg:$0x1];
	s2 =	simm.s32 $0x0  }
0x3: {  	[smem:$0x7FF] =	sst s2  }
0x4: {  	s0 =	rddreg [dreg:$0x2];
	s31 =	simm.s32 $0x1;
	_ =	strace $0x80000047  }
0x5: {  	[tilespmem:s2], [sflag:$0x1] =	stream.linear.gather [hbm4b:s1+s2], $0x4000, $0x38;
	[tilespmem:$0x14000] =	vst v63  }
0x6: {  	_ =	swait.ge [sflag:s31], $0x4000  }
0x7: {  	[sflag:s31] =	ssyncset.done $0x0  }
0x8: {  	[sflag:s31] =	ssyncadd.s32 $0xFFFFC000  }
0x9: {  	v1 =	vld [tilespmem:$0x0];
	_ =	sdelay $0x1  }
0xa: {  	v2 =	vld [tilespmem:$0x10];
	_ =	sdelay $0x1  }
0xb: {  	v3 =	vld [tilespmem:$0x20]  }
0xc: {  	v4 =	vld [tilespmem:$0x30];
	(xrf1) =	vunique.msk.u32 $0xffff, v1;
	_ =	sdelay $0x1  }
0xd: {  	v5 =	vld [tilespmem:$0x40];
	(xrf1) =	vunique.msk.u32 $0xffff, v2;
	_ =	sdelay $0x1  }
0xe: {  	v6 =	vld [tilespmem:$0x50];
	(xrf1) =	vunique.msk.u32 $0xffff, v3  }
0xf: {  	(xrf1) =	vunique.msk.u32 $0xffff, v4;
	_ =	sdelay $0x1  }
0x10: {  	(xrf1) =	vunique.msk.u32 $0xffff, v5;
	_ =	sdelay $0x1  }
0x11: {  	v7 =	vld [tilespmem:$0x60];
	(xrf1) =	vunique.msk.u32 $0xffff, v6;
	_ =	sdelay $0x2  }
0x12: {  	s1 =	stileid.u32  }
0x13: {  	v0 =	vmov s1;
	v10 =	vshra.s32 v1, $0x10  }
0x14: {  	v8 =	vld [tilespmem:$0x70];
	vm1 =	veq.s32 v10, v0;
	v10 =	vshra.s32 v2, $0x10;
	(xrf1) =	vunique.msk.u32 $0xffff, v7;
	_, v11, vm0 =	vpop (xrf1)  }
0x15: {  	v13 =	vand.u32 $0xFFFF, v1;
	v1 =	vshra.s32 v3, $0x10;
	vm0 =	vmand vm0, vm1  }
0x16: {  	vm2 =	veq.s32 v10, v0;
	_, v12, vm1 =	vpop (xrf1)  }
0x17: {  	s4 =	simm.s32 $0xE0;
	v9 =	vld [tilespmem:$0x80];
	vm1 =	vmand vm1, vm2  }
0x18: {  	v15 =	vld [tilespmem:s4+$0xFFFFFFE0];
	v2 =	vand.u32 $0xFFFF, v2;
	vm3 =	veq.s32 v1, v0;
	_, v10, vm2 =	vpop (xrf1)  }
0x19: {  	v14 =	vshra.s32 v4, $0x10;
	(xrf1) =	vunique.msk.u32 $0xffff, v8;
	v11 =	vld [tilespmem:$0x90];
	vm2 =	vmand vm2, vm3;
	_, v1, vm3 =	vpop (xrf1)  }
0x1a: {  	s2 =	simm.s32 $0x4000;
	vm4 =	veq.s32 v14, v0;
	v12 =	vld [tilespmem:$0xA0];
	v1 =	vlaneseq.u32  }
0x1b: {  	v14 =	vshra.s32 v5, $0x10;
	v10 =	vld [tilespmem:$0xB0];
	[tilespmem:v13+s2+$0x0] =	vst.idx.msk vm0, v1;
	vm0 =	vmand vm3, vm4;
	_, v13, vm3 =	vpop (xrf1)  }
0x1c: {  	vm4 =	veq.s32 v14, v0;
	v13 =	vadd.s32 $0x10, v1  }
0x1d: {  	v3 =	vand.u32 $0xFFFF, v3;
	v14 =	vld [tilespmem:s4+$0xFFFFFFF0];
	[tilespmem:v2+s2+$0x0] =	vst.idx.msk vm1, v13;
	vm1 =	vmand vm3, vm4;
	_, v2, vm3 =	vpop (xrf1)  }
0x1e: {  	(xrf1) =	vunique.msk.u32 $0xffff, v9;
	v2 =	vadd.s32 $0x20, v1  }
0x1f: {  	(xrf1) =	vunique.msk.u32 $0xffff, v11  }
0x20: {  	v16 =	vshra.s32 v6, $0x10  }
0x21: {  	(xrf1) =	vunique.msk.u32 $0xffff, v12;
	vm4 =	veq.s32 v16, v0  }
0x22: {  	v4 =	vand.u32 $0xFFFF, v4;
	v13 =	vld [tilespmem:s4+$0x0];
	[tilespmem:v3+s2+$0x0] =	vst.idx.msk vm2, v2;
	vm2 =	vmand vm3, vm4;
	_, v2, vm3 =	vpop (xrf1)  }
0x23: {  	v2 =	vadd.s32 $0x30, v1  }
0x24: {  	v5 =	vand.u32 $0xFFFF, v5;
	(xrf1) =	vunique.msk.u32 $0xffff, v10  }
0x25: {  	v16 =	vshra.s32 v7, $0x10  }
0x26: {  	v6 =	vand.u32 $0xFFFF, v6;
	(xrf1) =	vunique.msk.u32 $0xffff, v15;
	vm4 =	veq.s32 v16, v0  }
0x27: {  	v16 =	vshra.s32 v8, $0x10;
	v3 =	vld [tilespmem:s4+$0x10];
	[tilespmem:v4+s2+$0x0] =	vst.idx.msk vm0, v2;
	vm0 =	vmand vm3, vm4;
	_, v2, vm3 =	vpop (xrf1)  }
0x28: {  	vm4 =	veq.s32 v16, v0;
	v2 =	vadd.s32 $0x40, v1  }
0x29: {  	v4 =	vand.u32 $0xFFFF, v7;
	v17 =	vld [tilespmem:s4+$0x20];
	[tilespmem:v5+s2+$0x0] =	vst.idx.msk vm1, v2;
	vm1 =	vmand vm3, vm4  }
0x2a: {  	v7 =	vand.u32 $0xFFFF, v8;
	v5 =	vadd.s32 $0x50, v1  }
0x2b: {  	(xrf1) =	vunique.msk.u32 $0xffff, v14;
	v2 =	vshra.s32 v9, $0x10;
	v20 =	vld [tilespmem:s4+$0x30];
	[tilespmem:v6+s2+$0x0] =	vst.idx.msk vm2, v5;
	v5 =	vadd.s32 $0x60, v1  }
0x2c: {  	_, v8, vm3 =	vpop (xrf1);
	vm4 =	veq.s32 v2, v0;
	v2 =	vshra.s32 v11, $0x10  }
0x2d: {  	(xrf1) =	vunique.msk.u32 $0xffff, v13;
	vm2 =	vmand vm3, vm4;
	_, v6, vm3 =	vpop (xrf1);
	vm4 =	veq.s32 v2, v0  }
0x2e: {  	v22 =	vld [tilespmem:s4+$0x40];
	[tilespmem:v4+s2+$0x0] =	vst.idx.msk vm0, v5;
	v2 =	vshra.s32 v12, $0x10;
	v4 =	vadd.s32 $0x70, v1;
	v6 =	vand.u32 $0xFFFF, v9  }
0x2f: {  	vm0 =	vmand vm3, vm4;
	v16 =	vld [tilespmem:s4+$0x50];
	vm4 =	veq.s32 v2, v0;
	_, v5, vm3 =	vpop (xrf1);
	[tilespmem:v7+s2+$0x0] =	vst.idx.msk vm1, v4;
	v4 =	vshra.s32 v10, $0x10  }
0x30: {  	(xrf1) =	vunique.msk.u32 $0xffff, v3;
	vm1 =	vmand vm3, vm4;
	vm4 =	veq.s32 v4, v0;
	v4 =	vshra.s32 v15, $0x10;
	_ =	sdelay $0x1  }
0x31: {  	v8 =	vand.u32 $0xFFFF, v11;
	(xrf1) =	vunique.msk.u32 $0xffff, v17;
	_, v7, vm3 =	vpop (xrf1)  }
0x32: {  	v9 =	vand.u32 $0xFFFF, v12;
	v7 =	vadd.s32 $0x80, v1  }
0x33: {  	v5 =	vld [tilespmem:s4+$0x60];
	[tilespmem:v6+s2+$0x0] =	vst.idx.msk vm2, v7;
	vm2 =	vmand vm3, vm4;
	vm3 =	veq.s32 v4, v0;
	_, v4, vm4 =	vpop (xrf1)  }
0x34: {  	(xrf1) =	vunique.msk.u32 $0xffff, v20;
	v10 =	vand.u32 $0xFFFF, v10;
	v4 =	vshra.s32 v14, $0x10  }
0x35: {  	v7 =	vadd.s32 $0x90, v1  }
0x36: {  	v11 =	vand.u32 $0xFFFF, v15;
	(xrf1) =	vunique.msk.u32 $0xffff, v22;
	v6 =	vld [tilespmem:s4+$0x70];
	[tilespmem:v8+s2+$0x0] =	vst.idx.msk vm0, v7;
	v8 =	vadd.s32 $0xA0, v1  }
0x37: {  	v25 =	vand.u32 $0xFFFF, v17;
	v7 =	vld [tilespmem:s4+$0x80];
	(xrf1) =	vunique.msk.u32 $0xffff, v16;
	[tilespmem:v9+s2+$0x0] =	vst.idx.msk vm1, v8;
	v9 =	vshra.s32 v13, $0x10  }
0x38: {  	v12 =	vadd.s32 $0xB0, v1;
	vm0 =	vmand vm4, vm3;
	vm3 =	veq.s32 v4, v0;
	_, v4, vm4 =	vpop (xrf1);
	(xrf1) =	vunique.msk.u32 $0xffff, v5  }
0x39: {  	v2 =	vadd.s32 $0x100, v1;
	v21 =	vshra.s32 v20, $0x10;
	v8 =	vld [tilespmem:s4+$0x90];
	[tilespmem:v10+s2+$0x0] =	vst.idx.msk vm2, v12;
	v12 =	vshra.s32 v3, $0x10  }
0x3a: {  	v15 =	vand.u32 $0xFFFF, v14;
	v23 =	vshra.s32 v22, $0x10;
	vm1 =	vmand vm4, vm3  }
0x3b: {  	v24 =	vshra.s32 v16, $0x10;
	vm6 =	veq.s32 v23, v0;
	vm2 =	veq.s32 v9, v0;
	_, v9, vm3 =	vpop (xrf1);
	(xrf1) =	vunique.msk.u32 $0xffff, v6  }
0x3c: {  	v14 =	vand.u32 $0xFFFF, v16;
	v13 =	vand.u32 $0xFFFF, v13;
	vm2 =	vmand vm3, vm2  }
0x3d: {  	v16 =	vshra.s32 v5, $0x10;
	v10 =	vadd.s32 $0xC0, v1;
	v9 =	vld [tilespmem:s4+$0xA0];
	vm3 =	veq.s32 v12, v0;
	_, v12, vm4 =	vpop (xrf1)  }
0x3e: {  	v3 =	vand.u32 $0xFFFF, v3;
	[tilespmem:v11+s2+$0x0] =	vst.idx.msk vm0, v10;
	(xrf1) =	vunique.msk.u32 $0xffff, v7;
	v12 =	vshra.s32 v17, $0x10  }
0x3f: {  	v11 =	vadd.s32 $0xD0, v1;
	vm3 =	vmand vm4, vm3;
	v10 =	vld [tilespmem:s4+$0xB0];
	_, v18, vm4 =	vpop (xrf1);
	vm5 =	veq.s32 v12, v0  }
0x40: {  	v19 =	vshra.s32 v6, $0x10;
	(xrf1) =	vunique.msk.u32 $0xffff, v8;
	vm4 =	vmand vm4, vm5;
	[tilespmem:v15+s2+$0x0] =	vst.idx.msk vm1, v11  }
0x41: {  	v4 =	vadd.s32 $0x10, v2;
	v12 =	vadd.s32 $0xE0, v1;
	v1 =	vadd.s32 $0xF0, v1;
	v11 =	vld [tilespmem:s4+$0xC0]  }
0x42: {  	vm0 =	veq.s32 v16, v0;
	_, v17, vm1 =	vpop (xrf1);
	(xrf1) =	vunique.msk.u32 $0xffff, v9;
	[tilespmem:v13+s2+$0x0] =	vst.idx.msk vm2, v12;
	vm2 =	veq.s32 v21, v0  }
0x43: {  	v16 =	vshra.s32 v8, $0x10;
	v18 =	vshra.s32 v7, $0x10;
	v12 =	vld [tilespmem:s4+$0xD0];
	vm2 =	vmand vm1, vm2  }
0x44: {  	v15 =	vshra.s32 v9, $0x10;
	_, v13, vm5 =	vpop (xrf1);
	v21 =	vand.u32 $0xFFFF, v20;
	(xrf1) =	vunique.msk.u32 $0xffff, v10;
	v20 =	vand.u32 $0xFFFF, v22  }
0x45: {  	[tilespmem:v3+s2+$0x0] =	vst.idx.msk vm3, v1;
	vm1 =	vmand vm5, vm6;
	s4 =	simm.s32 $0x1E0;
	_, v1, vm3 =	vpop (xrf1);
	vm5 =	veq.s32 v24, v0;
	v3 =	vadd.s32 $0x100, v2  }
0x46: {  	s5 =	simm.s32 $0x10;
	s3 =	sadd.s32 $0xA00, s3;
	v13 =	vld [tilespmem:s4+$0xFFFFFFE0];
	vm3 =	vmand vm3, vm5;
	[tilespmem:v25+s2+$0x0] =	vst.idx.msk vm4, v2;
	v17 =	vshra.s32 v11, $0x10;
	(xrf1) =	vunique.msk.u32 $0xffff, v11;
	_, v1, vm4 =	vpop (xrf1)  }
.LBB2_1:
0x47: {  	v1 =	vmov v3  }
0x48: {  	v22 =	vadd.s32 $0x10, v3;
	s5 =	sadd.s32 $0x10, s5;
	v23 =	vld [tilespmem:s4+$0xFFFFFFF0];
	(xrf1) =	vunique.msk.u32 $0xffff, v12  }
0x49: {  	[tilespmem:v21+s2+$0x0] =	vst.idx.msk vm2, v4;
	_, v4, vm2 =	vpop (xrf1)  }
0x4a: {  	vm0 =	vmand vm4, vm0;
	p0 =	slt.u32 s5, $0x3E0;
	v21 =	vadd.s32 $0xB0, v2;
	v4 =	vmov v22  }
0x4b: {  	v5 =	vand.u32 $0xFFFF, v5;
	vm4 =	veq.s32 v19, v0;
	v22 =	vadd.s32 $0x20, v2;
	v24 =	vld [tilespmem:s4+$0x0]  }
0x4c: {  	v19 =	vshra.s32 v13, $0x10;
	[tilespmem:v20+s2+$0x0] =	vst.idx.msk vm1, v22;
	vm1 =	vmand vm2, vm4;
	(xrf1) =	vunique.msk.u32 $0xffff, v13;
	_, v20, vm2 =	vpop (xrf1)  }
0x4d: {  	v6 =	vand.u32 $0xFFFF, v6;
	vm4 =	veq.s32 v18, v0;
	v20 =	vadd.s32 $0x30, v2;
	v22 =	vld [tilespmem:s4+$0x10]  }
0x4e: {  	vm2 =	vmand vm2, vm4;
	v18 =	vshra.s32 v23, $0x10;
	[tilespmem:v14+s2+$0x0] =	vst.idx.msk vm3, v20;
	(xrf1) =	vunique.msk.u32 $0xffff, v23;
	_, v14, vm3 =	vpop (xrf1)  }
0x4f: {  	v7 =	vand.u32 $0xFFFF, v7;
	vm4 =	veq.s32 v16, v0;
	v14 =	vadd.s32 $0x40, v2;
	v20 =	vld [tilespmem:s4+$0x20]  }
0x50: {  	vm3 =	vmand vm3, vm4;
	[tilespmem:v5+s2+$0x0] =	vst.idx.msk vm0, v14;
	v16 =	vshra.s32 v24, $0x10;
	(xrf1) =	vunique.msk.u32 $0xffff, v24;
	_, v5, vm0 =	vpop (xrf1)  }
0x51: {  	v27 =	vadd.s32 $0x50, v2;
	v8 =	vand.u32 $0xFFFF, v8;
	vm4 =	veq.s32 v15, v0;
	v25 =	vld [tilespmem:s4+$0x30]  }
0x52: {  	v15 =	vshra.s32 v10, $0x10;
	vm0 =	vmand vm0, vm4;
	[tilespmem:v6+s2+$0x0] =	vst.idx.msk vm1, v27;
	(xrf1) =	vunique.msk.u32 $0xffff, v22  }
0x53: {  	v9 =	vand.u32 $0xFFFF, v9;
	v6 =	vadd.s32 $0x60, v2;
	vm1 =	veq.s32 v15, v0;
	v26 =	vld [tilespmem:s4+$0x40];
	_, v5, vm4 =	vpop (xrf1)  }
0x54: {  	[tilespmem:v7+s2+$0x0] =	vst.idx.msk vm2, v6;
	v6 =	vadd.s32 $0x80, v2;
	vm1 =	vmand vm4, vm1;
	(xrf1) =	vunique.msk.u32 $0xffff, v20  }
0x55: {  	v10 =	vand.u32 $0xFFFF, v10;
	v5 =	vadd.s32 $0x70, v2;
	vm2 =	veq.s32 v17, v0;
	v7 =	vld [tilespmem:s4+$0x50];
	_, v14, vm4 =	vpop (xrf1)  }
0x56: {  	[tilespmem:v8+s2+$0x0] =	vst.idx.msk vm3, v5;
	vm2 =	vmand vm4, vm2;
	v14 =	vshra.s32 v12, $0x10;
	(xrf1) =	vunique.msk.u32 $0xffff, v25  }
0x57: {  	v11 =	vand.u32 $0xFFFF, v11;
	v17 =	vshra.s32 v25, $0x10;
	v5 =	vld [tilespmem:s4+$0x60];
	vm3 =	veq.s32 v14, v0;
	_, v8, vm4 =	vpop (xrf1)  }
0x58: {  	v27 =	vshra.s32 v26, $0x10;
	[tilespmem:v9+s2+$0x0] =	vst.idx.msk vm0, v6;
	vm3 =	vmand vm4, vm3;
	(xrf1) =	vunique.msk.u32 $0xffff, v26  }
0x59: {  	v15 =	vadd.s32 $0xA0, v2;
	v12 =	vand.u32 $0xFFFF, v12;
	v14 =	vadd.s32 $0x90, v2;
	v6 =	vld [tilespmem:s4+$0x70]  }
0x5a: {  	vm0 =	veq.s32 v19, v0;
	v28 =	vshra.s32 v7, $0x10;
	[tilespmem:v10+s2+$0x0] =	vst.idx.msk vm1, v14;
	_, v8, vm1 =	vpop (xrf1);
	(xrf1) =	vunique.msk.u32 $0xffff, v7  }
0x5b: {  	v14 =	vand.u32 $0xFFFF, v7;
	v10 =	vand.u32 $0xFFFF, v13;
	v7 =	vld [tilespmem:s4+$0x80];
	vm1 =	vmand vm1, vm0  }
0x5c: {  	v8 =	vshra.s32 v5, $0x10;
	[tilespmem:v11+s2+$0x0] =	vst.idx.msk vm2, v15;
	vm2 =	veq.s32 v18, v0;
	_, v9, vm4 =	vpop (xrf1);
	(xrf1) =	vunique.msk.u32 $0xffff, v5  }
0x5d: {  	v11 =	vand.u32 $0xFFFF, v23;
	vm0 =	veq.s32 v8, v0;
	v8 =	vld [tilespmem:s4+$0x90];
	vm2 =	vmand vm4, vm2  }
0x5e: {  	v19 =	vshra.s32 v6, $0x10;
	[tilespmem:v12+s2+$0x0] =	vst.idx.msk vm3, v21;
	vm3 =	veq.s32 v16, v0;
	_, v9, vm4 =	vpop (xrf1);
	(xrf1) =	vunique.msk.u32 $0xffff, v6  }
0x5f: {  	v29 =	vshra.s32 v22, $0x10;
	v12 =	vadd.s32 $0xC0, v2;
	v9 =	vld [tilespmem:s4+$0xA0];
	vm3 =	vmand vm4, vm3  }
0x60: {  	v21 =	vand.u32 $0xFFFF, v24;
	vm4 =	veq.s32 v29, v0;
	v18 =	vshra.s32 v7, $0x10;
	_, v13, vm5 =	vpop (xrf1);
	(xrf1) =	vunique.msk.u32 $0xffff, v7  }
0x61: {  	[tilespmem:v10+s2+$0x0] =	vst.idx.msk vm1, v12;
	v12 =	vadd.s32 $0xD0, v2;
	vm1 =	vmand vm5, vm4  }
0x62: {  	v22 =	vand.u32 $0xFFFF, v22;
	v23 =	vshra.s32 v20, $0x10;
	v16 =	vshra.s32 v8, $0x10;
	v10 =	vld [tilespmem:s4+$0xB0];
	_, v15, vm4 =	vpop (xrf1);
	(xrf1) =	vunique.msk.u32 $0xffff, v8  }
0x63: {  	vm5 =	veq.s32 v23, v0;
	[tilespmem:v11+s2+$0x0] =	vst.idx.msk vm2, v12  }
0x64: {  	vm4 =	vmand vm4, vm5;
	v12 =	vadd.s32 $0xE0, v2;
	v15 =	vshra.s32 v9, $0x10;
	v11 =	vld [tilespmem:s4+$0xC0];
	_, v13, vm2 =	vpop (xrf1);
	(xrf1) =	vunique.msk.u32 $0xffff, v9  }
0x65: {  	v23 =	vand.u32 $0xFFFF, v20;
	vm5 =	veq.s32 v17, v0;
	[tilespmem:v21+s2+$0x0] =	vst.idx.msk vm3, v12  }
0x66: {  	v17 =	vadd.s32 $0xF0, v2;
	_, v2, vm3 =	vpop (xrf1)  }
.Ltmp0:
0x67: {  	vm2 =	vmand vm2, vm5;
	v12 =	vld [tilespmem:s4+$0xD0];
	v2 =	vmov v3;
	(pc) =	sbr.rel @p0 .LBB2_1-.Ltmp0, $4  }
0x68: {  	v21 =	vand.u32 $0xFFFF, v25;
	vm5 =	veq.s32 v27, v0;
	[tilespmem:v22+s2+$0x0] =	vst.idx.msk vm1, v17;
	(xrf1) =	vunique.msk.u32 $0xffff, v10  }
0x69: {  	s4 =	sadd.s32 $0x100, s4;
	vm1 =	vmand vm3, vm5;
	_, v13, vm3 =	vpop (xrf1)  }
0x6a: {  	v20 =	vand.u32 $0xFFFF, v26;
	vm5 =	veq.s32 v28, v0;
	v17 =	vshra.s32 v11, $0x10;
	v13 =	vld [tilespmem:s4+$0xFFFFFFE0];
	(xrf1) =	vunique.msk.u32 $0xffff, v11  }
0x6b: {  	v3 =	vadd.s32 $0x100, v3;
	vm3 =	vmand vm3, vm5;
	[tilespmem:v23+s2+$0x0] =	vst.idx.msk vm4, v2;
	_, v22, vm4 =	vpop (xrf1)  }
0x6c: {  	_ =	sdelay $0x4  }
0x6d: {  	v22 =	vld [tilespmem:s4+$0xFFFFFFF0];
	(xrf1) =	vunique.msk.u32 $0xffff, v12;
	[tilespmem:v21+s2+$0x0] =	vst.idx.msk vm2, v4;
	vm0 =	vmand vm4, vm0;
	_, v4, vm2 =	vpop (xrf1);
	vm12 =	veq.s32 v19, v0  }
0x6e: {  	v5 =	vand.u32 $0xFFFF, v5;
	v21 =	vld [tilespmem:s4+$0x0];
	vm13 =	vmand vm2, vm12  }
0x6f: {  	v6 =	vand.u32 $0xFFFF, v6;
	v4 =	vadd.s32 $0x20, v2  }
0x70: {  	[tilespmem:v20+s2+$0x0] =	vst.idx.msk vm1, v4  }
0x71: {  	v42 =	vadd.s32 $0x30, v2;
	(xrf1) =	vunique.msk.u32 $0xffff, v13;
	v43 =	vld [tilespmem:s4+$0x10]  }
0x72: {  	v45 =	vadd.s32 $0x40, v2;
	_, v44, vm14 =	vpop (xrf1);
	[tilespmem:v14+s2+$0x0] =	vst.idx.msk vm3, v42;
	(xrf1) =	vunique.msk.u32 $0xffff, v22  }
0x73: {  	vm15 =	veq.s32 v18, v0;
	v47 =	vadd.s32 $0x50, v2;
	v14 =	vld [tilespmem:s4+$0x20];
	_, v46, vm8 =	vpop (xrf1);
	[tilespmem:v5+s2+$0x0] =	vst.idx.msk vm0, v45;
	(xrf1) =	vunique.msk.u32 $0xffff, v21  }
0x74: {  	vm9 =	veq.s32 v16, v0;
	vm2 =	vmand vm14, vm15;
	v5 =	vld [tilespmem:s4+$0x30];
	[tilespmem:v6+s2+$0x0] =	vst.idx.msk vm13, v47  }
0x75: {  	v7 =	vand.u32 $0xFFFF, v7;
	vm12 =	veq.s32 v15, v0;
	vm10 =	vmand vm8, vm9;
	_, v48, vm11 =	vpop (xrf1);
	v6 =	vld [tilespmem:s4+$0x40]  }
0x76: {  	v8 =	vand.u32 $0xFFFF, v8;
	vm13 =	vmand vm11, vm12;
	(xrf1) =	vunique.msk.u32 $0xffff, v43  }
0x77: {  	v9 =	vand.u32 $0xFFFF, v9  }
0x78: {  	v49 =	vshra.s32 v10, $0x10;
	v50 =	vadd.s32 $0x60, v2;
	v52 =	vand.u32 $0xFFFF, v10;
	(xrf1) =	vunique.msk.u32 $0xffff, v14  }
0x79: {  	v54 =	vshra.s32 v12, $0x10;
	v4 =	vadd.s32 $0x70, v2;
	vm14 =	veq.s32 v49, v0;
	_, v51, vm15 =	vpop (xrf1);
	(xrf1) =	vunique.msk.u32 $0xffff, v5  }
0x7a: {  	vm8 =	veq.s32 v17, v0;
	[tilespmem:v7+s2+$0x0] =	vst.idx.msk vm2, v50;
	vm2 =	vmand vm15, vm14;
	_, v53, vm9 =	vpop (xrf1);
	(xrf1) =	vunique.msk.u32 $0xffff, v6  }
0x7b: {  	v55 =	vadd.s32 $0x80, v2;
	vm11 =	veq.s32 v54, v0;
	v7 =	vld [tilespmem:s4+$0x50];
	[tilespmem:v8+s2+$0x0] =	vst.idx.msk vm10, v4;
	vm10 =	vmand vm9, vm8;
	_, v56, vm12 =	vpop (xrf1)  }
0x7c: {  	v11 =	vand.u32 $0xFFFF, v11;
	v15 =	vld [tilespmem:s4+$0x60];
	[tilespmem:v9+s2+$0x0] =	vst.idx.msk vm13, v55;
	vm13 =	vmand vm12, vm11  }
0x7d: {  	v58 =	vand.u32 $0xFFFF, v12  }
0x7e: {  	v57 =	vadd.s32 $0x90, v2;
	v60 =	vadd.s32 $0xA0, v2;
	v4 =	vshra.s32 v13, $0x10  }
0x7f: {  	v63 =	vadd.s32 $0xB0, v2;
	vm14 =	veq.s32 v4, v0;
	v4 =	vshra.s32 v22, $0x10;
	_, v59, vm15 =	vpop (xrf1)  }
0x80: {  	vm8 =	veq.s32 v4, v0;
	v4 =	vshra.s32 v21, $0x10;
	v9 =	vld [tilespmem:s4+$0x70];
	[tilespmem:v52+s2+$0x0] =	vst.idx.msk vm2, v57;
	vm2 =	vmand vm15, vm14;
	_, v62, vm9 =	vpop (xrf1)  }
0x81: {  	v61 =	vand.u32 $0xFFFF, v13;
	vm11 =	veq.s32 v4, v0;
	v10 =	vld [tilespmem:s4+$0x80];
	[tilespmem:v11+s2+$0x0] =	vst.idx.msk vm10, v60;
	vm10 =	vmand vm9, vm8;
	_, v18, vm12 =	vpop (xrf1)  }
0x82: {  	v23 =	vadd.s32 $0xD0, v2;
	v16 =	vand.u32 $0xFFFF, v22;
	v11 =	vld [tilespmem:s4+$0x90];
	[tilespmem:v58+s2+$0x0] =	vst.idx.msk vm13, v63;
	vm13 =	vmand vm12, vm11  }
0x83: {  	v26 =	vadd.s32 $0xE0, v2;
	v21 =	vand.u32 $0xFFFF, v21;
	v4 =	vshra.s32 v43, $0x10  }
0x84: {  	v20 =	vadd.s32 $0xC0, v2;
	vm14 =	veq.s32 v4, v0;
	v4 =	vshra.s32 v14, $0x10;
	_, v22, vm15 =	vpop (xrf1);
	(xrf1) =	vunique.msk.u32 $0xffff, v7  }
0x85: {  	v25 =	vshra.s32 v5, $0x10;
	v28 =	vshra.s32 v6, $0x10;
	vm9 =	veq.s32 v4, v0  }
0x86: {  	v18 =	vand.u32 $0xFFFF, v43;
	v12 =	vld [tilespmem:s4+$0xA0];
	_, v24, vm8 =	vpop (xrf1);
	(xrf1) =	vunique.msk.u32 $0xffff, v15;
	[tilespmem:v61+s2+$0x0] =	vst.idx.msk vm2, v20;
	vm2 =	vmand vm15, vm14  }
0x87: {  	vm12 =	veq.s32 v25, v0;
	(xrf1) =	vunique.msk.u32 $0xffff, v9;
	v13 =	vld [tilespmem:s4+$0xB0];
	[tilespmem:v16+s2+$0x0] =	vst.idx.msk vm10, v23;
	vm10 =	vmand vm8, vm9;
	_, v27, vm11 =	vpop (xrf1)  }
0x88: {  	v14 =	vand.u32 $0xFFFF, v14;
	vm15 =	veq.s32 v28, v0;
	v16 =	vld [tilespmem:s4+$0xC0];
	[tilespmem:v21+s2+$0x0] =	vst.idx.msk vm13, v26;
	vm13 =	vmand vm11, vm12;
	_, v30, vm14 =	vpop (xrf1)  }
0x89: {  	v5 =	vand.u32 $0xFFFF, v5;
	vm4 =	vmand vm14, vm15  }
0x8a: {  	v31 =	vand.u32 $0xFFFF, v6  }
0x8b: {  	v29 =	vadd.s32 $0xF0, v2;
	(xrf1) =	vunique.msk.u32 $0xffff, v10;
	v8 =	vld [tilespmem:s4+$0xD0]  }
0x8c: {  	s28 =	simm.s32 $0x4000;
	(xrf1) =	vunique.msk.u32 $0xffff, v11;
	[tilespmem:v18+s2+$0x0] =	vst.idx.msk vm2, v29  }
0x8d: {  	v32 =	vadd.s32 $0x110, v1;
	(xrf1) =	vunique.msk.u32 $0xffff, v12;
	v2 =	vld [tilespmem:$0x3FC0];
	[tilespmem:v14+s28+$0x0] =	vst.idx.msk vm10, v3  }
0x8e: {  	v34 =	vadd.s32 $0x120, v1;
	(xrf1) =	vunique.msk.u32 $0xffff, v13;
	v33 =	vld [tilespmem:$0x3FD0];
	[tilespmem:v5+s28+$0x0] =	vst.idx.msk vm13, v32  }
0x8f: {  	(xrf1) =	vunique.msk.u32 $0xffff, v16;
	v5 =	vld [tilespmem:$0x3FE0];
	[tilespmem:v31+s28+$0x0] =	vst.idx.msk vm4, v34  }
0x90: {  	(xrf1) =	vunique.msk.u32 $0xffff, v8;
	v3 =	vld [tilespmem:$0x3FF0]  }
0x91: {  	v36 =	vadd.s32 $0x130, v1;
	v35 =	vshra.s32 v7, $0x10  }
0x92: {  	v49 =	vadd.s32 $0x190, v1;
	v17 =	vadd.s32 $0x140, v1;
	vm5 =	veq.s32 v35, v0;
	_, v14, vm0 =	vpop (xrf1);
	(xrf1) =	vunique.msk.u32 $0xffff, v2  }
0x93: {  	v38 =	vand.u32 $0xFFFF, v15;
	v39 =	vshra.s32 v9, $0x10;
	v43 =	vadd.s32 $0x160, v1;
	(xrf1) =	vunique.msk.u32 $0xffff, v33  }
0x94: {  	v7 =	vand.u32 $0xFFFF, v7;
	v41 =	vshra.s32 v10, $0x10;
	v9 =	vand.u32 $0xFFFF, v9;
	_, v37, vm6 =	vpop (xrf1);
	(xrf1) =	vunique.msk.u32 $0xffff, v5  }
0x95: {  	v20 =	vadd.s32 $0x170, v1;
	v19 =	vshra.s32 v11, $0x10;
	v10 =	vand.u32 $0xFFFF, v10;
	_, v40, vm8 =	vpop (xrf1);
	(xrf1) =	vunique.msk.u32 $0xffff, v3  }
0x96: {  	vm9 =	veq.s32 v39, v0;
	v11 =	vand.u32 $0xFFFF, v11;
	vm11 =	veq.s32 v41, v0  }
0x97: {  	v45 =	vshra.s32 v12, $0x10;
	v21 =	vadd.s32 $0x180, v1;
	v14 =	vshra.s32 v15, $0x10  }
0x98: {  	v12 =	vand.u32 $0xFFFF, v12;
	vm0 =	vmand vm0, vm5;
	vm7 =	veq.s32 v14, v0  }
0x99: {  	v18 =	vadd.s32 $0x150, v1;
	v47 =	vshra.s32 v13, $0x10;
	vm1 =	vmand vm6, vm7;
	_, v42, vm10 =	vpop (xrf1)  }
0x9a: {  	v13 =	vand.u32 $0xFFFF, v13;
	vm14 =	veq.s32 v47, v0;
	vm3 =	vmand vm8, vm9;
	_, v44, vm12 =	vpop (xrf1)  }
0x9b: {  	v22 =	vshra.s32 v16, $0x10;
	vm5 =	veq.s32 v19, v0;
	vm2 =	vmand vm10, vm11;
	_, v46, vm13 =	vpop (xrf1)  }
0x9c: {  	v50 =	vshra.s32 v8, $0x10;
	vm6 =	veq.s32 v45, v0;
	vm4 =	vmand vm12, vm5;
	_, v48, vm7 =	vpop (xrf1)  }
0x9d: {  	v52 =	vand.u32 $0xFFFF, v8;
	v53 =	vshra.s32 v33, $0x10;
	vm5 =	vmand vm13, vm6;
	_, v23, vm15 =	vpop (xrf1)  }
0x9e: {  	vm8 =	veq.s32 v22, v0;
	v54 =	vshra.s32 v5, $0x10;
	[tilespmem:v7+s28+$0x0] =	vst.idx.msk vm0, v36;
	vm6 =	vmand vm7, vm14;
	_, v4, vm0 =	vpop (xrf1)  }
0x9f: {  	vm12 =	veq.s32 v50, v0;
	[tilespmem:v38+s28+$0x0] =	vst.idx.msk vm1, v17;
	vm7 =	vmand vm15, vm8;
	v4 =	vshra.s32 v2, $0x10  }
0xa0: {  	v7 =	vand.u32 $0xFFFF, v16;
	[tilespmem:v9+s28+$0x0] =	vst.idx.msk vm3, v18;
	vm0 =	vmand vm0, vm12;
	vm14 =	veq.s32 v4, v0;
	_, v51, vm13 =	vpop (xrf1)  }
0xa1: {  	v56 =	vshra.s32 v3, $0x10;
	[tilespmem:v10+s28+$0x0] =	vst.idx.msk vm2, v43;
	vm15 =	veq.s32 v53, v0;
	vm1 =	vmand vm13, vm14;
	_, v9, vm3 =	vpop (xrf1)  }
0xa2: {  	v2 =	vand.u32 $0xFFFF, v2;
	[tilespmem:v11+s28+$0x0] =	vst.idx.msk vm4, v20;
	vm13 =	veq.s32 v54, v0;
	_, v55, vm12 =	vpop (xrf1);
	vm2 =	vmand vm3, vm15  }
0xa3: {  	v6 =	vand.u32 $0xFFFF, v33;
	[tilespmem:v12+s28+$0x0] =	vst.idx.msk vm5, v21;
	vm15 =	veq.s32 v56, v0;
	_, v57, vm14 =	vpop (xrf1);
	vm3 =	vmand vm12, vm13  }
0xa4: {  	v58 =	vadd.s32 $0x1A0, v1;
	v5 =	vand.u32 $0xFFFF, v5;
	[tilespmem:v13+s28+$0x0] =	vst.idx.msk vm6, v49;
	vm4 =	vmand vm14, vm15  }
0xa5: {  	v59 =	vadd.s32 $0x1B0, v1;
	v3 =	vand.u32 $0xFFFF, v3;
	[tilespmem:v7+s28+$0x0] =	vst.idx.msk vm7, v58  }
0xa6: {  	v60 =	vadd.s32 $0x1C0, v1;
	[tilespmem:v52+s28+$0x0] =	vst.idx.msk vm0, v59  }
0xa7: {  	v61 =	vadd.s32 $0x1D0, v1;
	[tilespmem:v2+s28+$0x0] =	vst.idx.msk vm1, v60  }
0xa8: {  	v62 =	vadd.s32 $0x1E0, v1;
	[tilespmem:v6+s28+$0x0] =	vst.idx.msk vm2, v61  }
0xa9: {  	s29 =	sshll.u32 s1, $0xD;
	v63 =	vadd.s32 $0x1F0, v1;
	[tilespmem:v5+s28+$0x0] =	vst.idx.msk vm3, v62  }
0xaa: {  	s30 =	simm.s32 $0x0;
	s31 =	simm.s32 $0x1;
	s3 =	sadd.s32 s3, s29;
	[tilespmem:v3+s28+$0x0] =	vst.idx.msk vm4, v63  }
0xab: {  	[hbm4b:s3+s30] =	stream.linear.scatter [tilespmem:s28], [sflag:$0x1], $0x10000, $0x38;
	[tilespmem:$0x14000] =	vst v63  }
0xac: {  	_ =	swait.ge [sflag:s31], $0x10000  }
0xad: {  	[sflag:s31] =	ssyncset.done $0x0  }
0xae: {  	[sflag:s31] =	ssyncadd.s32 $0xFFFF0000  }
0xaf: {  	_ =	sfence.sel $0x180000  }
0xb0: {  	[bflag:$0x0] =	sbarrier.arrive $0xFFFF  }
0xb1: {  	p0 =	sne.s32 s1, $0x0;
	_ =	strace $0x90000047  }
0xb2: {  	s0 =	sadd.s32 @!p0 $0x100000, s0;
	[bflag:$0x2] =	sbarrier.arrive $0xFFFF  }
0xb3: {  	[sflag:s0] =	ssyncadd.tile.s32 @!p0 $0x1;
	_ =	shalt  }
.Lfunc_end2:
_tile_overlayer_lowered:
.L_overlay_start_2:
0xb4: {  	(tag) =	ssettag $0x2  }
0xb5: {  	s0 =	rddreg [dreg:$0x0];
	s2 =	stileid.u32  }
0xb6: {  	s1 =	rddreg [dreg:$0x1];
	p0 =	sne.s32 s2, $0x0  }
0xb7: {  	s3 =	rddreg [dreg:$0x2];
	[bflag:$0x3] =	sbarrier.arrive $0xFFFF;
	s2 =	simm.s32 @!p0 $0x1C01  }
0xb8: {  	[timem:s3], [sflag:s2] =	dma.local @!p0 [hbm:s0], s1  }
0xb9: {  	s0 =	simm.s32 @!p0 $0x1  }
0xba: {  	_ =	swait.ge @!p0 [sflag:s0], s1  }
0xbb: {  	s1 =	ssub.s32 @!p0 $0x0, s1;
	[sflag:s0] =	ssyncset.done @!p0 $0x0  }
0xbc: {  	[sflag:s0] =	ssyncadd.s32 @!p0 s1  }
0xbd: {  	[bflag:$0x3] =	sbarrier.arrive $0xFFFF  }
0xbe: {  	_ =	shalt  }

// kernel: kernel.7.cloned.1.call-start
scs
__scs_entry_jumppad:
0x0: {  	(pc) =	sbr.rel $0x88, $3  }
0x1: {  	(tag) =	ssettag $0x0;
	lr =	simm.s32 $0x1  }
0x2: {  	[smem:$0x3F9F] =	sst lr;
	_ =	strace $0xD0000000  }
0x3: {  	_ = 	snop  }
0x4: {  	_ = 	snop  }
0x5: {  	_ = 	snop  }
0x6: {  	_ = 	snop  }
0x7: {  	_ = 	snop  }
__scs_overlays_trampoline_lowered:
0x8: {  	[smem:$0x3FAE] =	sst s0  }
0x9: {  	[smem:$0x3FAF] =	sst s1  }
0xa: {  	[smem:$0x3FB0] =	sst s2  }
0xb: {  	[smem:$0x3FB1] =	sst s3  }
0xc: {  	[smem:$0x3FB2] =	sst s4  }
0xd: {  	[smem:$0x3FB3] =	sst s5  }
0xe: {  	[smem:$0x3FB4] =	sst s6  }
0xf: {  	[smem:$0x3FB5] =	sst s7  }
0x10: {  	[smem:$0x3FB6] =	sst s8  }
0x11: {  	[smem:$0x3FB7] =	sst s9;
	s0 =	simm.s32 @!p0 $0x0  }
0x12: {  	s1 =	sld [smem:$0x3F9D];
	s0 =	simm.s32 @p0 $0x1  }
0x13: {  	[smem:$0x3FB8] =	sst s0;
	s0 =	simm.s32 @!p1 $0x0  }
0x14: {  	s2 =	sld [smem:$0x3F9C];
	s0 =	simm.s32 @p1 $0x1  }
0x15: {  	[smem:$0x3FB9] =	sst s0;
	s0 =	simm.s32 @!p2 $0x0  }
0x16: {  	s3 =	sld [smem:$0x3FDB];
	s0 =	simm.s32 @p2 $0x1  }
0x17: {  	s4 =	simm.s32 $0x1BF5;
	[smem:$0x3FBB] =	sst s0  }
0x18: {  	s0 =	sld [smem:$0x3F9E];
	_ =	swait.ge [sflag:s4], $0x0  }
0x19: {  	s7 =	sld [smem:$0x3F9F]  }
0x1a: {  	s8 =	sadd.s32 $0xFFFFE003, lr  }
0x1b: {  	s9 =	sadd.s32 $0xFFFFFEF7, lr;
	s5 =	simm.s32 $0xFFFFFFFF;
	p2 =	slt.u32 s8, $0xFFFFF086  }
0x1c: {  	p1 =	slt.u32 s9, $0xF7A;
	s5 =	simm.s32 @!p2 $0x0  }
0x1d: {  	s5 =	simm.s32 @p1 $0x1;
	p0 =	seq.s32 s7, s2  }
0x1e: {  	s7 =	smul.u32 @!p0 $0xF7A, s2;
	p2 =	seq.s32 @!p0 s5, $0x0  }
0x1f: {  	s9 =	smul.u32 $0xF7A, s1;
	s8 =	simm.s32 @!p0 $0x1BF5;
	p2 =	por !p2, p0  }
0x20: {  	[sflag:s8] =	ssyncset.s32 @!p0 $0xFFFFF086;
	s6 =	sadd.s32 @!p0 s3, s7;
	s7 =	simm.s32 @!p0 $0x108  }
0x21: {  	s3 =	sadd.s32 s3, s9;
	s6 =	sadd.s32 @!p0 $0x88, s6;
	s7 =	simm.s32 @p2 $0x1082  }
0x22: {  	[simem:s7], [sflag:s8] =	dma.local @!p0 [hbm:s6], $0xF7A  }
0x23: {  	s9 =	sor.u32 $0xD0000000, s2;
	s6 =	simm.s32 $0x108;
	_ =	swait.ge @!p0 [sflag:s8], $0x0  }
0x24: {  	s3 =	sadd.s32 $0x88, s3;
	s6 =	simm.s32 @!p1 $0x1082;
	[sflag:s4] =	ssyncset.s32 $0xFFFFF086  }
0x25: {  	[simem:s6], [sflag:s4] =	dma.local [hbm:s3], $0xF7A  }
0x26: {  	[smem:$0x3F9F] =	sst s1;
	(tag) =	ssettag s2;
	_ =	strace s9  }
0x27: {  	s1 =	sld [smem:$0x3FAF]  }
0x28: {  	s2 =	sld [smem:$0x3FB0]  }
0x29: {  	s4 =	sld [smem:$0x3FB2]  }
0x2a: {  	p0 =	seq.s32 s5, $0x0;
	s5 =	sld [smem:$0x3FB3]  }
0x2b: {  	s6 =	sld [smem:$0x3FB4]  }
0x2c: {  	s7 =	sld [smem:$0x3FB5]  }
0x2d: {  	s3 =	simm.s32 $0x108;
	s8 =	sld [smem:$0x3FB6]  }
0x2e: {  	s3 =	simm.s32 @!p0 $0x1082;
	s9 =	sld [smem:$0x3FB7]  }
0x2f: {  	lr =	sadd.s32 s0, s3;
	s0 =	sld [smem:$0x3FAE]  }
0x30: {  	s3 =	sld [smem:$0x3FB1]  }
0x31: {  	[smem:$0x3FBA] =	sst s10  }
0x32: {  	s10 =	sld [smem:$0x3FB8];
	_ =	sdelay $0x3  }
0x33: {  	p0 =	seq.s32 s10, $0x1;
	s10 =	sld [smem:$0x3FBA];
	_ =	sdelay $0x3  }
0x34: {  	[smem:$0x3FBA] =	sst s10  }
0x35: {  	s10 =	sld [smem:$0x3FB9];
	_ =	sdelay $0x3  }
0x36: {  	p1 =	seq.s32 s10, $0x1;
	s10 =	sld [smem:$0x3FBA];
	_ =	sdelay $0x3  }
0x37: {  	[smem:$0x3FBA] =	sst s10  }
0x38: {  	s10 =	sld [smem:$0x3FBB]  }
0x39: {  	_ = 	snop;
	(pc) =	sbr.ind lr, $3  }
0x3a: {  	_ = 	snop  }
0x3b: {  	_ = 	snop  }
0x3c: {  	p2 =	seq.s32 s10, $0x1;
	s10 =	sld [smem:$0x3FBA]  }
0x3d: {  	_ =	shalt  }
0x3e: {  	_ =	shalt  }
0x3f: {  	_ =	shalt  }
0x40: {  	_ =	shalt  }
0x41: {  	_ =	shalt  }
0x42: {  	_ =	shalt  }
0x43: {  	_ =	shalt  }
0x44: {  	_ =	shalt  }
0x45: {  	_ =	shalt  }
0x46: {  	_ =	shalt  }
0x47: {  	_ =	shalt  }
0x48: {  	_ =	shalt  }
0x49: {  	_ =	shalt  }
0x4a: {  	_ =	shalt  }
0x4b: {  	_ =	shalt  }
0x4c: {  	_ =	shalt  }
0x4d: {  	_ =	shalt  }
0x4e: {  	_ =	shalt  }
0x4f: {  	_ =	shalt  }
0x50: {  	_ =	shalt  }
0x51: {  	_ =	shalt  }
0x52: {  	_ =	shalt  }
0x53: {  	_ =	shalt  }
0x54: {  	_ =	shalt  }
0x55: {  	_ =	shalt  }
0x56: {  	_ =	shalt  }
0x57: {  	_ =	shalt  }
0x58: {  	_ =	shalt  }
0x59: {  	_ =	shalt  }
0x5a: {  	_ =	shalt  }
0x5b: {  	_ =	shalt  }
0x5c: {  	_ =	shalt  }
0x5d: {  	_ =	shalt  }
0x5e: {  	_ =	shalt  }
0x5f: {  	_ =	shalt  }
0x60: {  	_ =	shalt  }
0x61: {  	_ =	shalt  }
0x62: {  	_ =	shalt  }
0x63: {  	_ =	shalt  }
0x64: {  	_ =	shalt  }
0x65: {  	_ =	shalt  }
0x66: {  	_ =	shalt  }
0x67: {  	_ =	shalt  }
0x68: {  	_ =	shalt  }
0x69: {  	_ =	shalt  }
0x6a: {  	_ =	shalt  }
0x6b: {  	_ =	shalt  }
0x6c: {  	_ =	shalt  }
0x6d: {  	_ =	shalt  }
0x6e: {  	_ =	shalt  }
0x6f: {  	_ =	shalt  }
0x70: {  	_ =	shalt  }
0x71: {  	_ =	shalt  }
0x72: {  	_ =	shalt  }
0x73: {  	_ =	shalt  }
0x74: {  	_ =	shalt  }
0x75: {  	_ =	shalt  }
0x76: {  	_ =	shalt  }
0x77: {  	_ =	shalt  }
0x78: {  	_ =	shalt  }
0x79: {  	_ =	shalt  }
0x7a: {  	_ =	shalt  }
0x7b: {  	_ =	shalt  }
0x7c: {  	_ =	shalt  }
0x7d: {  	_ =	shalt  }
0x7e: {  	_ =	shalt  }
0x7f: {  	_ =	shalt  }
0x80: {  	_ =	shalt  }
0x81: {  	_ =	shalt  }
0x82: {  	_ =	shalt  }
0x83: {  	_ =	shalt  }
0x84: {  	_ =	shalt  }
0x85: {  	_ =	shalt  }
0x86: {  	_ =	shalt  }
0x87: {  	_ =	shalt  }
.Lfunc_end0:
.L_simem_size_0:
called_computation.1_lowered:
.L_overlay_start_0:
0x88: {  	s0 =	sld [smem:$0x3FD9]  }
0x89: {  	s1 =	sld [smem:$0x3FFE];
	_ =	sdelay $0x3  }
0x8a: {  	s0 =	sadd.s32 s1, s0  }
0x8b: {  	[smem:$0x3FC6] =	sst s0  }
0x8c: {  	_ = 	snop  }
0x8d: {  	s0 =	sld [smem:$0x3FC8]  }
0x8e: {  	s16 =	sld [smem:$0x3FD0];
	(tm) =	ssettm $0x1  }
0x8f: {  	s2 =	sld [smem:$0x3FFB];
	_ =	sdelay $0x3  }
0x90: {  	_ =	strace s2  }
0x91: {  	s2 =	sld [smem:$0x3FFC];
	_ =	sdelay $0x3  }
0x92: {  	_ =	strace s2  }
0x93: {  	s2 =	sld [smem:$0x3FFD];
	_ =	sdelay $0x3  }
0x94: {  	_ =	strace s2  }
0x95: {  	_ =	strace $0x8FFFFFFF  }
0x96: {  	s17 =	sld [smem:$0x3FDB];
	_ =	sdelay $0x1  }
0x97: {  	s3 =	simm.s32 $_scs_section_size  }
0x98: {  	s4 =	simm.s32 $_size__tile_overlayer_lowered;
	s5 =	simm.s32 $_tile_overlayer_lowered  }
0x99: {  	s20 =	simm.s32 $0x1BFF;
	s19 =	sshll.u32 s5, $0x1;
	s2 =	sadd.s32 s3, s17  }
0x9a: {  	s6 =	simm.s32 $0x0;
	s18 =	sshll.u32 s4, $0x1;
	s4 =	sadd.s32 s19, s2  }
0x9b: {  	[timem:s6], [sflag:s20] =	dma.local [hbm:s4], s18  }
0x9c: {  	_ =	swait.ge [sflag:s20], s18  }
0x9d: {  	s3 =	ssub.s32 $0x0, s18;
	[sflag:s20] =	ssyncset.done $0x0  }
0x9e: {  	[sflag:s20] =	ssyncadd.s32 s3;
	_ =	sdelay $0x1  }
0x9f: {  	s21 =	simm.s32 $0x1B8B  }
0xa0: {  	_ =	swait.ge [sflag:s21], $0x1  }
0xa1: {  	[sflag:s21] =	ssyncset.done $0x0  }
0xa2: {  	s23 =	simm.s32 $0x1B8E;
	s22 =	sld [smem:$0x3FFE];
	[sflag:s21] =	ssyncadd.s32 $0xFFFFFFFF  }
0xa3: {  	s24 =	simm.s32 $execute0_lowered;
	[smem:$0x3FD2] =	sst s23  }
0xa4: {  	s4 =	sshll.u32 s24, $0x1;
	_ =	strace $0x80000049;
	[dreg:$0x1] =	wrdreg $0xFFFFFFFF  }
0xa5: {  	s25 =	simm.s32 $_size_execute0_lowered;
	s2 =	sadd.s32 s2, s4;
	[dreg:$0x0] =	wrdreg $0x0  }
0xa6: {  	s4 =	sshll.u32 s25, $0x1;
	[dreg:$0x2] =	wrdreg s2  }
0xa7: {  	[dreg:$0x3] =	wrdreg s4  }
0xa8: {  	[dreg:$0x4] =	wrdreg $0xC0  }
0xa9: {  	_ =	task [dreg:s6], $0x5FFFF  }
0xaa: {  	[dreg:$0x1] =	wrdreg $0xFFFFFFFF  }
0xab: {  	[dreg:$0x0] =	wrdreg $0x60  }
0xac: {  	[dreg:$0x2] =	wrdreg s0  }
0xad: {  	[dreg:$0x3] =	wrdreg s22  }
0xae: {  	[dreg:$0x4] =	wrdreg s16  }
0xaf: {  	[dreg:$0x5] =	wrdreg $0x9  }
0xb0: {  	_ =	task.clear_ibuf [dreg:s6], $0x6FFFF;
	_ =	strace $0x90000049  }
0xb1: {  	s26 =	simm.s32 $0x9;
	_ =	strace $0x8000004B  }
0xb2: {  	_ =	swait.ge [sflag:s26], $0x1  }
0xb3: {  	[sflag:s26] =	ssyncadd.s32 $0xFFFFFFFF  }
0xb4: {  	_ =	strace $0x9000004B  }
0xb5: {  	_ =	sfence  }
0xb6: {  	s28 =	sld [smem:$0x0];
	_ =	sdelay $0x1  }
0xb7: {  	s29 =	srdreg.scid  }
0xb8: {  	s30 =	sshll.u32 s29, $0xD;
	s31 =	sshrl.u32 s29, $0x2  }
0xb9: {  	s1 =	sand.u32 $0x1, s29;
	s2 =	sand.u32 $0x4000, s30;
	s0 =	sadd.s32 s31, s28  }
0xba: {  	s1 =	sor.u32 s2, s1;
	s0 =	sshll.u32 s0, $0x11  }
0xbb: {  	s0 =	sor.u32 s0, s1  }
0xbc: {  	s0 =	sadd.s32 $0x8F2B, s0  }
0xbd: {  	[sflag:s0] =	ssyncadd.remote.s32 $0x1  }
0xbe: {  	_ =	sfence.sel $0xFFFF  }
0xbf: {  	[dreg:$0x0] =	wrdreg $0xFFFFFFFF;
	(pc) =	sbr.abs _section_cstart, $3  }
0xc0: {  	[dreg:$0x1] =	wrdreg $0xFFFFFFFF  }
0xc1: {  	_ =	task.clear_ibuf [dreg:s6], $0x2FFFF;
	_ =	strace $0x9FFFFFFF  }
0xc2: {  	(tm) =	ssettm $0x7FFFFFFF  }
0xc3: {  	_ =	shalt  }
tec
execute0_lowered:
.L_overlay_start_1:
0x0: {  	(tag) =	ssettag $0x1  }
0x1: {  	s3 =	rddreg [dreg:$0x0]  }
0x2: {  	s4 =	rddreg [dreg:$0x1]  }
0x3: {  	s5 =	rddreg [dreg:$0x2]  }
0x4: {  	s0 =	rddreg [dreg:$0x3];
	s2 =	simm.s32 $0x0;
	s1 =	stileid.u32  }
0x5: {  	[smem:$0x7FF] =	sst s2;
	s6 =	sshll.u32 s1, $0x7  }
0x6: {  	s22 =	simm.s32 $0x3;
	_ =	strace $0x8000004A;
	s3 =	sadd.s32 s3, s6  }
0x7: {  	[tilespmem:s2], [sflag:$0x3] =	stream.linear.gather [hbm4b:s3+s2], $0x400, $0x38;
	[tilespmem:$0x10800] =	vst v63  }
0x8: {  	_ =	swait.ge [sflag:s22], $0x400  }
0x9: {  	s23 =	simm.s32 $0x80;
	[sflag:s22] =	ssyncset.done $0x0  }
0xa: {  	s8 =	simm.s32 $0x400;
	s7 =	sadd.s32 $0xA00, s4;
	[sflag:s22] =	ssyncadd.s32 $0xFFFFFC00  }
0xb: {  	[tilespmem:s8], [sflag:$0x1] =	stream.indirect.gather [hbm4b:s7+s23], $0x1, s2, s23, $0xb8;
	[tilespmem:$0x10800] =	vst v63  }
0xc: {  	s9 =	simm.s32 $0x480  }
0xd: {  	[tilespmem:s9], [sflag:$0x1] =	stream.indirect.gather [hbm4b:s7+s23], $0x1, s23, s23, $0xb8;
	[tilespmem:$0x10800] =	vst v63  }
0xe: {  	s24 =	simm.s32 $0x100;
	s10 =	simm.s32 $0x500  }
0xf: {  	[tilespmem:s10], [sflag:$0x1] =	stream.indirect.gather [hbm4b:s7+s23], $0x1, s24, s23, $0xb8;
	[tilespmem:$0x10800] =	vst v63  }
0x10: {  	s25 =	simm.s32 $0x180;
	s11 =	simm.s32 $0x580  }
0x11: {  	[tilespmem:s11], [sflag:$0x1] =	stream.indirect.gather [hbm4b:s7+s23], $0x1, s25, s23, $0xb8;
	[tilespmem:$0x10800] =	vst v63  }
0x12: {  	s26 =	simm.s32 $0x200;
	s12 =	simm.s32 $0x600  }
0x13: {  	[tilespmem:s12], [sflag:$0x1] =	stream.indirect.gather [hbm4b:s7+s23], $0x1, s26, s23, $0xb8;
	[tilespmem:$0x10800] =	vst v63  }
0x14: {  	s28 =	simm.s32 $0x280;
	s13 =	simm.s32 $0x680  }
0x15: {  	[tilespmem:s13], [sflag:$0x1] =	stream.indirect.gather [hbm4b:s7+s23], $0x1, s28, s23, $0xb8;
	[tilespmem:$0x10800] =	vst v63  }
0x16: {  	s29 =	simm.s32 $0x300;
	s14 =	simm.s32 $0x700  }
0x17: {  	[tilespmem:s14], [sflag:$0x1] =	stream.indirect.gather [hbm4b:s7+s23], $0x1, s29, s23, $0xb8;
	[tilespmem:$0x10800] =	vst v63  }
0x18: {  	s30 =	simm.s32 $0x380;
	s15 =	simm.s32 $0x780;
	s3 =	simm.s32 $0x1  }
0x19: {  	[tilespmem:s15], [sflag:$0x1] =	stream.indirect.gather [hbm4b:s7+s23], $0x1, s30, s23, $0xb8;
	[tilespmem:$0x10800] =	vst v63  }
0x1a: {  	_ =	swait.ge [sflag:s3], $0x80  }
0x1b: {  	[sflag:s3] =	ssyncset.done $0x0  }
0x1c: {  	s31 =	simm.s32 $0x800;
	[sflag:s3] =	ssyncadd.s32 $0xFFFFFF80  }
0x1d: {  	[tilespmem:s31], [sflag:$0x2] =	stream.indirect.gather [hbm4b:s5+s23], $0x40, s8, s23, $0xb8;
	[tilespmem:$0x10800] =	vst v63  }
0x1e: {  	_ =	swait.ge [sflag:s3], $0x80  }
0x1f: {  	[sflag:s3] =	ssyncset.done $0x0  }
0x20: {  	s16 =	simm.s32 $0x2800;
	[sflag:s3] =	ssyncadd.s32 $0xFFFFFF80  }
0x21: {  	[tilespmem:s16], [sflag:$0x2] =	stream.indirect.gather [hbm4b:s5+s23], $0x40, s9, s23, $0xb8;
	[tilespmem:$0x10800] =	vst v63  }
0x22: {  	_ =	swait.ge [sflag:s3], $0x80  }
0x23: {  	[sflag:s3] =	ssyncset.done $0x0  }
0x24: {  	s17 =	simm.s32 $0x4800;
	[sflag:s3] =	ssyncadd.s32 $0xFFFFFF80  }
0x25: {  	[tilespmem:s17], [sflag:$0x2] =	stream.indirect.gather [hbm4b:s5+s23], $0x40, s10, s23, $0xb8;
	[tilespmem:$0x10800] =	vst v63  }
0x26: {  	_ =	swait.ge [sflag:s3], $0x80  }
0x27: {  	[sflag:s3] =	ssyncset.done $0x0  }
0x28: {  	s18 =	simm.s32 $0x6800;
	[sflag:s3] =	ssyncadd.s32 $0xFFFFFF80  }
0x29: {  	[tilespmem:s18], [sflag:$0x2] =	stream.indirect.gather [hbm4b:s5+s23], $0x40, s11, s23, $0xb8;
	[tilespmem:$0x10800] =	vst v63  }
0x2a: {  	_ =	swait.ge [sflag:s3], $0x80  }
0x2b: {  	[sflag:s3] =	ssyncset.done $0x0  }
0x2c: {  	s19 =	simm.s32 $0x8800;
	[sflag:s3] =	ssyncadd.s32 $0xFFFFFF80  }
0x2d: {  	[tilespmem:s19], [sflag:$0x2] =	stream.indirect.gather [hbm4b:s5+s23], $0x40, s12, s23, $0xb8;
	[tilespmem:$0x10800] =	vst v63  }
0x2e: {  	_ =	swait.ge [sflag:s3], $0x80  }
0x2f: {  	[sflag:s3] =	ssyncset.done $0x0  }
0x30: {  	s20 =	simm.s32 $0xA800;
	[sflag:s3] =	ssyncadd.s32 $0xFFFFFF80  }
0x31: {  	[tilespmem:s20], [sflag:$0x2] =	stream.indirect.gather [hbm4b:s5+s23], $0x40, s13, s23, $0xb8;
	[tilespmem:$0x10800] =	vst v63  }
0x32: {  	_ =	swait.ge [sflag:s3], $0x80  }
0x33: {  	[sflag:s3] =	ssyncset.done $0x0  }
0x34: {  	s21 =	simm.s32 $0xC800;
	[sflag:s3] =	ssyncadd.s32 $0xFFFFFF80  }
0x35: {  	[tilespmem:s21], [sflag:$0x2] =	stream.indirect.gather [hbm4b:s5+s23], $0x40, s14, s23, $0xb8;
	[tilespmem:$0x10800] =	vst v63  }
0x36: {  	_ =	swait.ge [sflag:s3], $0x80  }
0x37: {  	[sflag:s3] =	ssyncset.done $0x0  }
0x38: {  	s22 =	simm.s32 $0xE800;
	[sflag:s3] =	ssyncadd.s32 $0xFFFFFF80  }
0x39: {  	[tilespmem:s22], [sflag:$0x2] =	stream.indirect.gather [hbm4b:s5+s23], $0x40, s15, s23, $0xb8;
	[tilespmem:$0x10800] =	vst v63  }
0x3a: {  	s23 =	simm.s32 $0x2  }
0x3b: {  	s24 =	sshll.u32 s1, $0xD;
	_ =	swait.ge [sflag:s23], $0x2000  }
0x3c: {  	s4 =	sadd.s32 s24, s4;
	[sflag:s23] =	ssyncset.done $0x0  }
0x3d: {  	s4 =	sadd.s32 $0x20A00, s4;
	[sflag:s23] =	ssyncadd.s32 $0xFFFFE000  }
0x3e: {  	[hbm4b:s4+s2] =	stream.linear.scatter [tilespmem:s31], [sflag:$0x1], $0x2000, $0x38;
	[tilespmem:$0x10800] =	vst v63  }
0x3f: {  	_ =	swait.ge [sflag:s23], $0x2000  }
0x40: {  	[sflag:s23] =	ssyncset.done $0x0  }
0x41: {  	s25 =	sadd.s32 $0x400, s4;
	[sflag:s23] =	ssyncadd.s32 $0xFFFFE000  }
0x42: {  	[hbm4b:s25+s2] =	stream.linear.scatter [tilespmem:s16], [sflag:$0x1], $0x2000, $0x38;
	[tilespmem:$0x10800] =	vst v63  }
0x43: {  	_ =	swait.ge [sflag:s23], $0x2000  }
0x44: {  	[sflag:s23] =	ssyncset.done $0x0  }
0x45: {  	s26 =	sadd.s32 $0x800, s4;
	[sflag:s23] =	ssyncadd.s32 $0xFFFFE000  }
0x46: {  	[hbm4b:s26+s2] =	stream.linear.scatter [tilespmem:s17], [sflag:$0x1], $0x2000, $0x38;
	[tilespmem:$0x10800] =	vst v63  }
0x47: {  	_ =	swait.ge [sflag:s23], $0x2000  }
0x48: {  	[sflag:s23] =	ssyncset.done $0x0  }
0x49: {  	s28 =	sadd.s32 $0xC00, s4;
	[sflag:s23] =	ssyncadd.s32 $0xFFFFE000  }
0x4a: {  	[hbm4b:s28+s2] =	stream.linear.scatter [tilespmem:s18], [sflag:$0x1], $0x2000, $0x38;
	[tilespmem:$0x10800] =	vst v63  }
0x4b: {  	_ =	swait.ge [sflag:s23], $0x2000  }
0x4c: {  	[sflag:s23] =	ssyncset.done $0x0  }
0x4d: {  	s29 =	sadd.s32 $0x1000, s4;
	[sflag:s23] =	ssyncadd.s32 $0xFFFFE000  }
0x4e: {  	[hbm4b:s29+s2] =	stream.linear.scatter [tilespmem:s19], [sflag:$0x1], $0x2000, $0x38;
	[tilespmem:$0x10800] =	vst v63  }
0x4f: {  	_ =	swait.ge [sflag:s23], $0x2000  }
0x50: {  	[sflag:s23] =	ssyncset.done $0x0  }
0x51: {  	s30 =	sadd.s32 $0x1400, s4;
	[sflag:s23] =	ssyncadd.s32 $0xFFFFE000  }
0x52: {  	[hbm4b:s30+s2] =	stream.linear.scatter [tilespmem:s20], [sflag:$0x1], $0x2000, $0x38;
	[tilespmem:$0x10800] =	vst v63  }
0x53: {  	_ =	swait.ge [sflag:s23], $0x2000  }
0x54: {  	[sflag:s23] =	ssyncset.done $0x0  }
0x55: {  	s31 =	sadd.s32 $0x1800, s4;
	[sflag:s23] =	ssyncadd.s32 $0xFFFFE000  }
0x56: {  	[hbm4b:s31+s2] =	stream.linear.scatter [tilespmem:s21], [sflag:$0x1], $0x2000, $0x38;
	[tilespmem:$0x10800] =	vst v63  }
0x57: {  	_ =	swait.ge [sflag:s23], $0x2000  }
0x58: {  	[sflag:s23] =	ssyncset.done $0x0  }
0x59: {  	s4 =	sadd.s32 $0x1C00, s4;
	[sflag:s23] =	ssyncadd.s32 $0xFFFFE000  }
0x5a: {  	[hbm4b:s4+s2] =	stream.linear.scatter [tilespmem:s22], [sflag:$0x1], $0x2000, $0x38;
	[tilespmem:$0x10800] =	vst v63  }
0x5b: {  	_ =	swait.ge [sflag:s3], $0x2000  }
0x5c: {  	[sflag:s3] =	ssyncset.done $0x0  }
0x5d: {  	[sflag:s3] =	ssyncadd.s32 $0xFFFFE000  }
0x5e: {  	_ =	swait.ge [sflag:s3], $0x2000  }
0x5f: {  	[sflag:s3] =	ssyncset.done $0x0  }
0x60: {  	[sflag:s3] =	ssyncadd.s32 $0xFFFFE000  }
0x61: {  	_ =	swait.ge [sflag:s3], $0x2000  }
0x62: {  	[sflag:s3] =	ssyncset.done $0x0  }
0x63: {  	[sflag:s3] =	ssyncadd.s32 $0xFFFFE000  }
0x64: {  	_ =	swait.ge [sflag:s3], $0x2000  }
0x65: {  	[sflag:s3] =	ssyncset.done $0x0  }
0x66: {  	[sflag:s3] =	ssyncadd.s32 $0xFFFFE000  }
0x67: {  	_ =	swait.ge [sflag:s3], $0x2000  }
0x68: {  	[sflag:s3] =	ssyncset.done $0x0  }
0x69: {  	[sflag:s3] =	ssyncadd.s32 $0xFFFFE000  }
0x6a: {  	_ =	swait.ge [sflag:s3], $0x2000  }
0x6b: {  	[sflag:s3] =	ssyncset.done $0x0  }
0x6c: {  	[sflag:s3] =	ssyncadd.s32 $0xFFFFE000  }
0x6d: {  	_ =	swait.ge [sflag:s3], $0x2000  }
0x6e: {  	[sflag:s3] =	ssyncset.done $0x0  }
0x6f: {  	[sflag:s3] =	ssyncadd.s32 $0xFFFFE000  }
0x70: {  	_ =	swait.ge [sflag:s3], $0x2000  }
0x71: {  	[sflag:s3] =	ssyncset.done $0x0  }
0x72: {  	[sflag:s3] =	ssyncadd.s32 $0xFFFFE000  }
0x73: {  	_ =	sfence.sel $0x180000  }
0x74: {  	[bflag:$0x0] =	sbarrier.arrive $0xFFFF  }
0x75: {  	p0 =	sne.s32 s1, $0x0;
	_ =	strace $0x9000004A  }
0x76: {  	s0 =	sadd.s32 @!p0 $0x100000, s0;
	[bflag:$0x2] =	sbarrier.arrive $0xFFFF  }
0x77: {  	[sflag:s0] =	ssyncadd.tile.s32 @!p0 $0x1;
	_ =	shalt  }
.Lfunc_end2:
_tile_overlayer_lowered:
.L_overlay_start_2:
0x78: {  	(tag) =	ssettag $0x2  }
0x79: {  	s0 =	rddreg [dreg:$0x0];
	s2 =	stileid.u32  }
0x7a: {  	s1 =	rddreg [dreg:$0x1];
	p0 =	sne.s32 s2, $0x0  }
0x7b: {  	s3 =	rddreg [dreg:$0x2];
	[bflag:$0x3] =	sbarrier.arrive $0xFFFF;
	s2 =	simm.s32 @!p0 $0x1C03  }
0x7c: {  	[timem:s3], [sflag:s2] =	dma.local @!p0 [hbm:s0], s1  }
0x7d: {  	s0 =	simm.s32 @!p0 $0x3  }
0x7e: {  	_ =	swait.ge @!p0 [sflag:s0], s1  }
0x7f: {  	s1 =	ssub.s32 @!p0 $0x0, s1;
	[sflag:s0] =	ssyncset.done @!p0 $0x0  }
0x80: {  	[sflag:s0] =	ssyncadd.s32 @!p0 s1  }
0x81: {  	[bflag:$0x3] =	sbarrier.arrive $0xFFFF  }
0x82: {  	_ =	shalt  }

</sc_bundles>
